<compile_context>
chip_gen: v7x
topology: tpu7x:2x2x1
jax: 0.10.2.dev20260603
libtpu: 0.0.44.dev20260713+nightly
codegen_flags: <defaults>
</compile_context>

<pallas_src>
import functools

import jax
import jax.numpy as jnp
from jax import lax
from jax.experimental import pallas as pl
from jax.experimental.pallas import tpu as pltpu
from jax.experimental.pallas import tpu_sc as plsc

VOCAB = 100000
DIM = 128
B = 4096
L = 50
N = B * L


@functools.lru_cache(maxsize=None)
def _build_gather(nbuf=8, chunk=80, look=7, nchunk_c0=78, nchunk_c1=82):
    info = plsc.get_sparse_core_info()
    nc, ns = info.num_cores, info.num_subcores
    assert nc == 2 and ns == 16
    len0, len1 = nchunk_c0 * chunk, nchunk_c1 * chunk
    pair = len0 + len1
    assert pair * ns == N
    len_max = max(len0, len1)
    assert chunk % 8 == 0 and len0 % 8 == 0 and look < nbuf
    assert min(nchunk_c0, nchunk_c1) >= nbuf >= look

    mesh = plsc.VectorSubcoreMesh(core_axis_name="c", subcore_axis_name="s")

    @functools.partial(
        pl.kernel,
        out_type=jax.ShapeDtypeStruct((N, DIM), jnp.float32),
        mesh=mesh,
        scratch_types=[
            pltpu.VMEM((len_max,), jnp.int32),
            pltpu.VMEM((nbuf, chunk, DIM), jnp.float32),
        ]
        + [pltpu.SemaphoreType.DMA] * (2 * nbuf),
    )
    def gather_kernel(table_hbm, idx_hbm, out_hbm, idx_v, rows_v, *sems):
        gsem, osem = sems[:nbuf], sems[nbuf:]
        c = lax.axis_index("c")
        s = lax.axis_index("s")
        base = s * pair + c * len0
        nchunk_w = jnp.where(c == 0, nchunk_c0, nchunk_c1)
        pltpu.sync_copy(idx_hbm.at[pl.ds(base, len_max)], idx_v)

        def start_gather(i, b):
            pltpu.async_copy(
                table_hbm.at[idx_v.at[pl.ds(i * chunk, chunk)]],
                rows_v.at[b],
                gsem[b],
            )

        for cc in range(look):
            start_gather(cc, cc)

        ngroups = (nchunk_w + nbuf - 1) // nbuf

        @pl.loop(0, ngroups)
        def _(g0):
            g = g0 * nbuf
            for b in range(nbuf):
                i = g + b

                @pl.when(i < nchunk_w)
                def _():
                    pltpu.make_async_copy(
                        table_hbm.at[idx_v.at[pl.ds(0, chunk)]],
                        rows_v.at[b],
                        gsem[b],
                    ).wait()
                    pltpu.async_copy(
                        rows_v.at[b],
                        out_hbm.at[pl.ds(base + i * chunk, chunk)],
                        osem[b],
                    )
                    j = i + look
                    bj = (b + look) % nbuf

                    @pl.when(jnp.logical_and(j >= nbuf, j < nchunk_w))
                    def _():
                        pltpu.make_async_copy(
                            rows_v.at[bj],
                            out_hbm.at[pl.ds(base, chunk)],
                            osem[bj],
                        ).wait()

                    @pl.when(j < nchunk_w)
                    def _():
                        start_gather(j, bj)

        for b in range(nbuf):
            pltpu.make_async_copy(
                rows_v.at[b], out_hbm.at[pl.ds(base, chunk)], osem[b]
            ).wait()

    return gather_kernel


def kernel(state, input_token, table):
    idx_t = input_token.astype(jnp.int32).T.reshape(N)
    rows = _build_gather()(table, idx_t)
    hidden = rows.reshape(L, B, DIM).transpose(1, 0, 2)
    return (state, hidden)

# --- scband reference (transcript-rebuilt; emitter-appended) ---
"""Pipeline reference for scband-embedding-computer-16810501996983 (READ-ONLY COPY).

The authoritative reference and input builder live on the scoring server;
editing this copy changes nothing except your own understanding.
"""

import jax, jax.numpy as jnp
import numpy as np

VOCAB = 100000
DIM = 128
PAD = 0
B = 4096
L = 50


def setup_inputs(seed: int = 0) -> dict:
    key = jax.random.key(seed)
    k1, k2, k3 = jax.random.split(key, 3)
    state = jax.random.normal(k1, (B, DIM), dtype=jnp.float32)
    input_token = jax.random.randint(k2, (B, L), 0, VOCAB)
    table = jax.random.normal(k3, (VOCAB, DIM), dtype=jnp.float32) * 0.02
    # padding_idx row is initialized to zero in nn.Embedding
    table = table.at[PAD].set(0.0)
    return {"state": state, "input_token": input_token, "table": table}


def reference(state, input_token, table):
    # hidden = self._embed(input_token)
    hidden = jnp.take(table, input_token, axis=0)
    return (state, hidden)

if __name__ == "__main__":
    import jax
    _d = setup_inputs()
    print(jax.jit(kernel)(*tuple(_d.values())))

</pallas_src>

<mosaic_0001>
#map = affine_map<(d0, d1) -> (0, 0)>
#map1 = affine_map<(d0, d1) -> (0)>
module attributes {stable_mosaic.version = 14 : i64} {
  func.func @gather_kernel(%arg0: i32, %arg1: i32, %arg2: memref<100000x128xf32, #tpu.memory_space<hbm>>, %arg3: memref<204800xi32, #tpu.memory_space<hbm>>, %arg4: memref<204800x128xf32, #tpu.memory_space<hbm>>, %arg5: memref<6560xi32, #tpu.memory_space<vmem>>, %arg6: memref<8x80x128xf32, #tpu.memory_space<vmem>>, %arg7: memref<!tpu.dma_semaphore, #tpu.memory_space<semaphore_mem>>, %arg8: memref<!tpu.dma_semaphore, #tpu.memory_space<semaphore_mem>>, %arg9: memref<!tpu.dma_semaphore, #tpu.memory_space<semaphore_mem>>, %arg10: memref<!tpu.dma_semaphore, #tpu.memory_space<semaphore_mem>>, %arg11: memref<!tpu.dma_semaphore, #tpu.memory_space<semaphore_mem>>, %arg12: memref<!tpu.dma_semaphore, #tpu.memory_space<semaphore_mem>>, %arg13: memref<!tpu.dma_semaphore, #tpu.memory_space<semaphore_mem>>, %arg14: memref<!tpu.dma_semaphore, #tpu.memory_space<semaphore_mem>>, %arg15: memref<!tpu.dma_semaphore, #tpu.memory_space<semaphore_mem>>, %arg16: memref<!tpu.dma_semaphore, #tpu.memory_space<semaphore_mem>>, %arg17: memref<!tpu.dma_semaphore, #tpu.memory_space<semaphore_mem>>, %arg18: memref<!tpu.dma_semaphore, #tpu.memory_space<semaphore_mem>>, %arg19: memref<!tpu.dma_semaphore, #tpu.memory_space<semaphore_mem>>, %arg20: memref<!tpu.dma_semaphore, #tpu.memory_space<semaphore_mem>>, %arg21: memref<!tpu.dma_semaphore, #tpu.memory_space<semaphore_mem>>, %arg22: memref<!tpu.dma_semaphore, #tpu.memory_space<semaphore_mem>>) attributes {dimension_semantics = [#tpu.dimension_semantics<core_parallel>, #tpu.dimension_semantics<subcore_parallel>], iteration_bounds = array<i64: 2, 16>, scalar_prefetch = 0 : i64, scratch_operands = 18 : i64, tpu.core_type = #tpu.core_type<sc_vector_subcore>, window_params = [{transform_indices = #map}, {transform_indices = #map1}, {transform_indices = #map}]} {
    %mul3A = arith.constant 12800 : i32
    %mul3A_0 = arith.muli %arg1, %mul3A : i32
    %mul3A_1 = arith.constant 6240 : i32
    %mul3A_2 = arith.muli %arg0, %mul3A_1 : i32
    %add3A = arith.addi %mul3A_0, %mul3A_2 : i32
    %eq3A = arith.constant 0 : i32
    %eq3A_3 = arith.cmpi eq, %arg0, %eq3A : i32
    %jit3A = arith.constant 78 : i32
    %jit3A_4 = arith.constant 82 : i32
    %select_n3A = arith.select %eq3A_3, %jit3A, %jit3A_4 : i32
    "tpu.region"() ({
      %run_scoped3A = tpu.sem_alloc : memref<!tpu.dma_semaphore, #tpu.memory_space<semaphore_mem>>
      %dma_start3A_217 = tpu.memref_slice %arg3[%add3A] : memref<204800xi32, #tpu.memory_space<hbm>> -> memref<6560xi32, #tpu.memory_space<hbm>>
      %dma_start3A_218 = tpu.memref_slice %arg3[%add3A] : memref<204800xi32, #tpu.memory_space<hbm>> -> memref<6560xi32, #tpu.memory_space<hbm>>
      tpu.enqueue_dma source(%dma_start3A_218 : memref<6560xi32, #tpu.memory_space<hbm>>) target(%arg5 : memref<6560xi32, #tpu.memory_space<vmem>>) target_semaphore(%run_scoped3A : memref<!tpu.dma_semaphore, #tpu.memory_space<semaphore_mem>>)
      %dma_wait3A_219 = tpu.memref_slice %arg3[%add3A] : memref<204800xi32, #tpu.memory_space<hbm>> -> memref<6560xi32, #tpu.memory_space<hbm>>
      %dma_wait3A_220 = tpu.memref_slice %arg3[%add3A] : memref<204800xi32, #tpu.memory_space<hbm>> -> memref<6560xi32, #tpu.memory_space<hbm>>
      tpu.wait_dma2 semaphore(%run_scoped3A : memref<!tpu.dma_semaphore, #tpu.memory_space<semaphore_mem>>) src(%dma_wait3A_220 : memref<6560xi32, #tpu.memory_space<hbm>>) dst(%arg5 : memref<6560xi32, #tpu.memory_space<vmem>>)
      tpu.yield
    }) : () -> ()
    %dma_start3A = arith.constant 0 : i32
    %dma_start3A_5 = arith.constant 0 : i32
    %dma_start3A_6 = arith.constant 0 : i32
    %dma_start3A_7 = tpu.memref_slice %arg6[%dma_start3A, %dma_start3A_5, %dma_start3A_6] : memref<8x80x128xf32, #tpu.memory_space<vmem>> -> memref<1x80x128xf32, #tpu.memory_space<vmem>>
    %dma_start3A_8 = tpu.memref_squeeze %dma_start3A_7 : memref<1x80x128xf32, #tpu.memory_space<vmem>> -> memref<80x128xf32, #tpu.memory_space<vmem>>
    %dma_start3A_9 = arith.constant 0 : i32
    %dma_start3A_10 = tpu.memref_slice %arg5[%dma_start3A_9] : memref<6560xi32, #tpu.memory_space<vmem>> -> memref<80xi32, #tpu.memory_space<vmem>>
    %dma_start3A_11 = arith.constant 0 : i32
    %dma_start3A_12 = arith.constant 0 : i32
    %dma_start3A_13 = tpu.memref_slice %arg2[%dma_start3A_11, %dma_start3A_12] : memref<100000x128xf32, #tpu.memory_space<hbm>> -> memref<100000x128xf32, #tpu.memory_space<hbm>>
    tpu.enqueue_indirect_dma source(%dma_start3A_13 : memref<100000x128xf32, #tpu.memory_space<hbm>>) target(%dma_start3A_8 : memref<80x128xf32, #tpu.memory_space<vmem>>) offsets(%dma_start3A_10 : memref<80xi32, #tpu.memory_space<vmem>>) semaphore(%arg7 : memref<!tpu.dma_semaphore, #tpu.memory_space<semaphore_mem>>)
    %dma_start3A_14 = arith.constant 1 : i32
    %dma_start3A_15 = arith.constant 0 : i32
    %dma_start3A_16 = arith.constant 0 : i32
    %dma_start3A_17 = tpu.memref_slice %arg6[%dma_start3A_14, %dma_start3A_15, %dma_start3A_16] : memref<8x80x128xf32, #tpu.memory_space<vmem>> -> memref<1x80x128xf32, #tpu.memory_space<vmem>>
    %dma_start3A_18 = tpu.memref_squeeze %dma_start3A_17 : memref<1x80x128xf32, #tpu.memory_space<vmem>> -> memref<80x128xf32, #tpu.memory_space<vmem>>
    %dma_start3A_19 = arith.constant 80 : i32
    %dma_start3A_20 = tpu.memref_slice %arg5[%dma_start3A_19] : memref<6560xi32, #tpu.memory_space<vmem>> -> memref<80xi32, #tpu.memory_space<vmem>>
    %dma_start3A_21 = arith.constant 0 : i32
    %dma_start3A_22 = arith.constant 0 : i32
    %dma_start3A_23 = tpu.memref_slice %arg2[%dma_start3A_21, %dma_start3A_22] : memref<100000x128xf32, #tpu.memory_space<hbm>> -> memref<100000x128xf32, #tpu.memory_space<hbm>>
    tpu.enqueue_indirect_dma source(%dma_start3A_23 : memref<100000x128xf32, #tpu.memory_space<hbm>>) target(%dma_start3A_18 : memref<80x128xf32, #tpu.memory_space<vmem>>) offsets(%dma_start3A_20 : memref<80xi32, #tpu.memory_space<vmem>>) semaphore(%arg8 : memref<!tpu.dma_semaphore, #tpu.memory_space<semaphore_mem>>)
    %dma_start3A_24 = arith.constant 2 : i32
    %dma_start3A_25 = arith.constant 0 : i32
    %dma_start3A_26 = arith.constant 0 : i32
    %dma_start3A_27 = tpu.memref_slice %arg6[%dma_start3A_24, %dma_start3A_25, %dma_start3A_26] : memref<8x80x128xf32, #tpu.memory_space<vmem>> -> memref<1x80x128xf32, #tpu.memory_space<vmem>>
    %dma_start3A_28 = tpu.memref_squeeze %dma_start3A_27 : memref<1x80x128xf32, #tpu.memory_space<vmem>> -> memref<80x128xf32, #tpu.memory_space<vmem>>
    %dma_start3A_29 = arith.constant 160 : i32
    %dma_start3A_30 = tpu.memref_slice %arg5[%dma_start3A_29] : memref<6560xi32, #tpu.memory_space<vmem>> -> memref<80xi32, #tpu.memory_space<vmem>>
    %dma_start3A_31 = arith.constant 0 : i32
    %dma_start3A_32 = arith.constant 0 : i32
    %dma_start3A_33 = tpu.memref_slice %arg2[%dma_start3A_31, %dma_start3A_32] : memref<100000x128xf32, #tpu.memory_space<hbm>> -> memref<100000x128xf32, #tpu.memory_space<hbm>>
    tpu.enqueue_indirect_dma source(%dma_start3A_33 : memref<100000x128xf32, #tpu.memory_space<hbm>>) target(%dma_start3A_28 : memref<80x128xf32, #tpu.memory_space<vmem>>) offsets(%dma_start3A_30 : memref<80xi32, #tpu.memory_space<vmem>>) semaphore(%arg9 : memref<!tpu.dma_semaphore, #tpu.memory_space<semaphore_mem>>)
    %dma_start3A_34 = arith.constant 3 : i32
    %dma_start3A_35 = arith.constant 0 : i32
    %dma_start3A_36 = arith.constant 0 : i32
    %dma_start3A_37 = tpu.memref_slice %arg6[%dma_start3A_34, %dma_start3A_35, %dma_start3A_36] : memref<8x80x128xf32, #tpu.memory_space<vmem>> -> memref<1x80x128xf32, #tpu.memory_space<vmem>>
    %dma_start3A_38 = tpu.memref_squeeze %dma_start3A_37 : memref<1x80x128xf32, #tpu.memory_space<vmem>> -> memref<80x128xf32, #tpu.memory_space<vmem>>
    %dma_start3A_39 = arith.constant 240 : i32
    %dma_start3A_40 = tpu.memref_slice %arg5[%dma_start3A_39] : memref<6560xi32, #tpu.memory_space<vmem>> -> memref<80xi32, #tpu.memory_space<vmem>>
    %dma_start3A_41 = arith.constant 0 : i32
    %dma_start3A_42 = arith.constant 0 : i32
    %dma_start3A_43 = tpu.memref_slice %arg2[%dma_start3A_41, %dma_start3A_42] : memref<100000x128xf32, #tpu.memory_space<hbm>> -> memref<100000x128xf32, #tpu.memory_space<hbm>>
    tpu.enqueue_indirect_dma source(%dma_start3A_43 : memref<100000x128xf32, #tpu.memory_space<hbm>>) target(%dma_start3A_38 : memref<80x128xf32, #tpu.memory_space<vmem>>) offsets(%dma_start3A_40 : memref<80xi32, #tpu.memory_space<vmem>>) semaphore(%arg10 : memref<!tpu.dma_semaphore, #tpu.memory_space<semaphore_mem>>)
    %dma_start3A_44 = arith.constant 4 : i32
    %dma_start3A_45 = arith.constant 0 : i32
    %dma_start3A_46 = arith.constant 0 : i32
    %dma_start3A_47 = tpu.memref_slice %arg6[%dma_start3A_44, %dma_start3A_45, %dma_start3A_46] : memref<8x80x128xf32, #tpu.memory_space<vmem>> -> memref<1x80x128xf32, #tpu.memory_space<vmem>>
    %dma_start3A_48 = tpu.memref_squeeze %dma_start3A_47 : memref<1x80x128xf32, #tpu.memory_space<vmem>> -> memref<80x128xf32, #tpu.memory_space<vmem>>
    %dma_start3A_49 = arith.constant 320 : i32
    %dma_start3A_50 = tpu.memref_slice %arg5[%dma_start3A_49] : memref<6560xi32, #tpu.memory_space<vmem>> -> memref<80xi32, #tpu.memory_space<vmem>>
    %dma_start3A_51 = arith.constant 0 : i32
    %dma_start3A_52 = arith.constant 0 : i32
    %dma_start3A_53 = tpu.memref_slice %arg2[%dma_start3A_51, %dma_start3A_52] : memref<100000x128xf32, #tpu.memory_space<hbm>> -> memref<100000x128xf32, #tpu.memory_space<hbm>>
    tpu.enqueue_indirect_dma source(%dma_start3A_53 : memref<100000x128xf32, #tpu.memory_space<hbm>>) target(%dma_start3A_48 : memref<80x128xf32, #tpu.memory_space<vmem>>) offsets(%dma_start3A_50 : memref<80xi32, #tpu.memory_space<vmem>>) semaphore(%arg11 : memref<!tpu.dma_semaphore, #tpu.memory_space<semaphore_mem>>)
    %dma_start3A_54 = arith.constant 5 : i32
    %dma_start3A_55 = arith.constant 0 : i32
    %dma_start3A_56 = arith.constant 0 : i32
    %dma_start3A_57 = tpu.memref_slice %arg6[%dma_start3A_54, %dma_start3A_55, %dma_start3A_56] : memref<8x80x128xf32, #tpu.memory_space<vmem>> -> memref<1x80x128xf32, #tpu.memory_space<vmem>>
    %dma_start3A_58 = tpu.memref_squeeze %dma_start3A_57 : memref<1x80x128xf32, #tpu.memory_space<vmem>> -> memref<80x128xf32, #tpu.memory_space<vmem>>
    %dma_start3A_59 = arith.constant 400 : i32
    %dma_start3A_60 = tpu.memref_slice %arg5[%dma_start3A_59] : memref<6560xi32, #tpu.memory_space<vmem>> -> memref<80xi32, #tpu.memory_space<vmem>>
    %dma_start3A_61 = arith.constant 0 : i32
    %dma_start3A_62 = arith.constant 0 : i32
    %dma_start3A_63 = tpu.memref_slice %arg2[%dma_start3A_61, %dma_start3A_62] : memref<100000x128xf32, #tpu.memory_space<hbm>> -> memref<100000x128xf32, #tpu.memory_space<hbm>>
    tpu.enqueue_indirect_dma source(%dma_start3A_63 : memref<100000x128xf32, #tpu.memory_space<hbm>>) target(%dma_start3A_58 : memref<80x128xf32, #tpu.memory_space<vmem>>) offsets(%dma_start3A_60 : memref<80xi32, #tpu.memory_space<vmem>>) semaphore(%arg12 : memref<!tpu.dma_semaphore, #tpu.memory_space<semaphore_mem>>)
    %dma_start3A_64 = arith.constant 6 : i32
    %dma_start3A_65 = arith.constant 0 : i32
    %dma_start3A_66 = arith.constant 0 : i32
    %dma_start3A_67 = tpu.memref_slice %arg6[%dma_start3A_64, %dma_start3A_65, %dma_start3A_66] : memref<8x80x128xf32, #tpu.memory_space<vmem>> -> memref<1x80x128xf32, #tpu.memory_space<vmem>>
    %dma_start3A_68 = tpu.memref_squeeze %dma_start3A_67 : memref<1x80x128xf32, #tpu.memory_space<vmem>> -> memref<80x128xf32, #tpu.memory_space<vmem>>
    %dma_start3A_69 = arith.constant 480 : i32
    %dma_start3A_70 = tpu.memref_slice %arg5[%dma_start3A_69] : memref<6560xi32, #tpu.memory_space<vmem>> -> memref<80xi32, #tpu.memory_space<vmem>>
    %dma_start3A_71 = arith.constant 0 : i32
    %dma_start3A_72 = arith.constant 0 : i32
    %dma_start3A_73 = tpu.memref_slice %arg2[%dma_start3A_71, %dma_start3A_72] : memref<100000x128xf32, #tpu.memory_space<hbm>> -> memref<100000x128xf32, #tpu.memory_space<hbm>>
    tpu.enqueue_indirect_dma source(%dma_start3A_73 : memref<100000x128xf32, #tpu.memory_space<hbm>>) target(%dma_start3A_68 : memref<80x128xf32, #tpu.memory_space<vmem>>) offsets(%dma_start3A_70 : memref<80xi32, #tpu.memory_space<vmem>>) semaphore(%arg13 : memref<!tpu.dma_semaphore, #tpu.memory_space<semaphore_mem>>)
    %add3A_74 = arith.constant 8 : i32
    %add3A_75 = arith.addi %select_n3A, %add3A_74 : i32
    %sub3A = arith.constant 1 : i32
    %sub3A_76 = arith.subi %add3A_75, %sub3A : i32
    %jit3A_77 = arith.constant 8 : i32
    %div3A = arith.divsi %sub3A_76, %jit3A_77 : i32
    %sign3A = arith.constant 0 : i32
    %sign3A_78 = arith.cmpi sgt, %sub3A_76, %sign3A : i32
    %sign3A_79 = arith.extui %sign3A_78 : i1 to i32
    %sign3A_80 = arith.constant 0 : i32
    %sign3A_81 = arith.cmpi slt, %sub3A_76, %sign3A_80 : i32
    %sign3A_82 = arith.extui %sign3A_81 : i1 to i32
    %sign3A_83 = arith.subi %sign3A_79, %sign3A_82 : i32
    %sign3A_84 = arith.constant 0 : i32
    %sign3A_85 = arith.cmpi sgt, %jit3A_77, %sign3A_84 : i32
    %sign3A_86 = arith.extui %sign3A_85 : i1 to i32
    %sign3A_87 = arith.constant 0 : i32
    %sign3A_88 = arith.cmpi slt, %jit3A_77, %sign3A_87 : i32
    %sign3A_89 = arith.extui %sign3A_88 : i1 to i32
    %sign3A_90 = arith.subi %sign3A_86, %sign3A_89 : i32
    %ne3A = arith.cmpi ne, %sign3A_83, %sign3A_90 : i32
    %rem3A = arith.remsi %sub3A_76, %jit3A_77 : i32
    %ne3A_91 = arith.constant 0 : i32
    %ne3A_92 = arith.cmpi ne, %rem3A, %ne3A_91 : i32
    %and3A = arith.andi %ne3A, %ne3A_92 : i1
    %sub3A_93 = arith.constant 1 : i32
    %sub3A_94 = arith.subi %div3A, %sub3A_93 : i32
    %select_n3A_95 = arith.select %and3A, %sub3A_94, %div3A : i32
    %sub3A_96 = arith.constant 0 : i32
    %sub3A_97 = arith.subi %select_n3A_95, %sub3A_96 : i32
    %sub3A_98 = arith.constant 1 : i32
    %sub3A_99 = arith.constant 1 : i32
    %sub3A_100 = arith.subi %sub3A_98, %sub3A_99 : i32
    %add3A_101 = arith.addi %sub3A_97, %sub3A_100 : i32
    %div3A_102 = arith.constant 1 : i32
    %div3A_103 = arith.divsi %add3A_101, %div3A_102 : i32
    %while3A = arith.constant 1 : i32
    %while3A_104 = arith.constant 0 : i32
    %while3A_105 = arith.constant 0 : i32
    %while3A_106 = arith.subi %div3A_103, %while3A_105 : i32
    %while3A_107 = arith.addi %while3A_105, %while3A_106 : i32
    %while3A_108 = arith.constant 1 : i32
    %while3A_109 = arith.divsi %while3A_106, %while3A_108 : i32
    %while3A_110 = arith.muli %while3A_109, %while3A_108 : i32
    %while3A_111 = arith.addi %while3A_105, %while3A_110 : i32
    %while3A_112 = arith.constant 1 : i32
    scf.for %while3A_217 = %while3A_105 to %while3A_111 step %while3A_112  : i32 {
      %mul3A_218 = arith.muli %while3A_217, %while3A : i32
      %add3A_219 = arith.addi %while3A_104, %mul3A_218 : i32
      %mul3A_220 = arith.constant 8 : i32
      %mul3A_221 = arith.muli %add3A_219, %mul3A_220 : i32
      %add3A_222 = arith.constant 0 : i32
      %add3A_223 = arith.addi %mul3A_221, %add3A_222 : i32
      %lt3A = arith.cmpi slt, %add3A_223, %select_n3A : i32
      %convert_element_type3A = arith.extui %lt3A : i1 to i32
      %cond3A = arith.constant 0 : i32
      %cond3A_224 = arith.cmpi ne, %convert_element_type3A, %cond3A : i32
      scf.if %cond3A_224 {
        %dma_wait3A_267 = arith.constant 0 : i32
        %dma_wait3A_268 = arith.constant 0 : i32
        %dma_wait3A_269 = arith.constant 0 : i32
        %dma_wait3A_270 = tpu.memref_slice %arg6[%dma_wait3A_267, %dma_wait3A_268, %dma_wait3A_269] : memref<8x80x128xf32, #tpu.memory_space<vmem>> -> memref<1x80x128xf32, #tpu.memory_space<vmem>>
        %dma_wait3A_271 = tpu.memref_squeeze %dma_wait3A_270 : memref<1x80x128xf32, #tpu.memory_space<vmem>> -> memref<80x128xf32, #tpu.memory_space<vmem>>
        %dma_wait3A_272 = arith.constant 0 : i32
        %dma_wait3A_273 = tpu.memref_slice %arg5[%dma_wait3A_272] : memref<6560xi32, #tpu.memory_space<vmem>> -> memref<80xi32, #tpu.memory_space<vmem>>
        %dma_wait3A_274 = arith.constant 0 : i32
        %dma_wait3A_275 = arith.constant 0 : i32
        %dma_wait3A_276 = tpu.memref_slice %arg2[%dma_wait3A_274, %dma_wait3A_275] : memref<100000x128xf32, #tpu.memory_space<hbm>> -> memref<100000x128xf32, #tpu.memory_space<hbm>>
        tpu.wait_indirect_dma semaphore(%arg7 : memref<!tpu.dma_semaphore, #tpu.memory_space<semaphore_mem>>) src(%dma_wait3A_276 : memref<100000x128xf32, #tpu.memory_space<hbm>>) dst(%dma_wait3A_271 : memref<80x128xf32, #tpu.memory_space<vmem>>)
        %mul3A_277 = arith.constant 80 : i32
        %mul3A_278 = arith.muli %add3A_223, %mul3A_277 : i32
        %add3A_279 = arith.addi %add3A, %mul3A_278 : i32
        %dma_start3A_280 = arith.constant 0 : i32
        %dma_start3A_281 = arith.constant 0 : i32
        %dma_start3A_282 = arith.constant 0 : i32
        %dma_start3A_283 = tpu.memref_slice %arg6[%dma_start3A_280, %dma_start3A_281, %dma_start3A_282] : memref<8x80x128xf32, #tpu.memory_space<vmem>> -> memref<1x80x128xf32, #tpu.memory_space<vmem>>
        %dma_start3A_284 = tpu.memref_squeeze %dma_start3A_283 : memref<1x80x128xf32, #tpu.memory_space<vmem>> -> memref<80x128xf32, #tpu.memory_space<vmem>>
        %dma_start3A_285 = arith.constant 0 : i32
        %dma_start3A_286 = tpu.memref_slice %arg4[%add3A_279, %dma_start3A_285] : memref<204800x128xf32, #tpu.memory_space<hbm>> -> memref<80x128xf32, #tpu.memory_space<hbm>>
        %dma_start3A_287 = arith.constant 0 : i32
        %dma_start3A_288 = tpu.memref_slice %arg4[%add3A_279, %dma_start3A_287] : memref<204800x128xf32, #tpu.memory_space<hbm>> -> memref<80x128xf32, #tpu.memory_space<hbm>>
        %dma_start3A_289 = arith.constant 0 : i32
        %dma_start3A_290 = arith.constant 0 : i32
        %dma_start3A_291 = tpu.memref_slice %arg6[%dma_start3A_280, %dma_start3A_289, %dma_start3A_290] : memref<8x80x128xf32, #tpu.memory_space<vmem>> -> memref<1x80x128xf32, #tpu.memory_space<vmem>>
        %dma_start3A_292 = tpu.memref_squeeze %dma_start3A_291 : memref<1x80x128xf32, #tpu.memory_space<vmem>> -> memref<80x128xf32, #tpu.memory_space<vmem>>
        tpu.enqueue_dma source(%dma_start3A_292 : memref<80x128xf32, #tpu.memory_space<vmem>>) target(%dma_start3A_288 : memref<80x128xf32, #tpu.memory_space<hbm>>) target_semaphore(%arg15 : memref<!tpu.dma_semaphore, #tpu.memory_space<semaphore_mem>>)
        %add3A_293 = arith.constant 7 : i32
        %add3A_294 = arith.addi %add3A_223, %add3A_293 : i32
        %ge3A = arith.constant 8 : i32
        %ge3A_295 = arith.cmpi sge, %add3A_294, %ge3A : i32
        %lt3A_296 = arith.cmpi slt, %add3A_294, %select_n3A : i32
        %and3A_297 = arith.andi %ge3A_295, %lt3A_296 : i1
        %convert_element_type3A_298 = arith.extui %and3A_297 : i1 to i32
        %cond3A_299 = arith.constant 0 : i32
        %cond3A_300 = arith.cmpi ne, %convert_element_type3A_298, %cond3A_299 : i32
        scf.if %cond3A_300 {
          %dma_wait3A_305 = arith.constant 7 : i32
          %dma_wait3A_306 = arith.constant 0 : i32
          %dma_wait3A_307 = arith.constant 0 : i32
          %dma_wait3A_308 = tpu.memref_slice %arg6[%dma_wait3A_305, %dma_wait3A_306, %dma_wait3A_307] : memref<8x80x128xf32, #tpu.memory_space<vmem>> -> memref<1x80x128xf32, #tpu.memory_space<vmem>>
          %dma_wait3A_309 = tpu.memref_squeeze %dma_wait3A_308 : memref<1x80x128xf32, #tpu.memory_space<vmem>> -> memref<80x128xf32, #tpu.memory_space<vmem>>
          %dma_wait3A_310 = arith.constant 0 : i32
          %dma_wait3A_311 = tpu.memref_slice %arg4[%add3A, %dma_wait3A_310] : memref<204800x128xf32, #tpu.memory_space<hbm>> -> memref<80x128xf32, #tpu.memory_space<hbm>>
          %dma_wait3A_312 = arith.constant 0 : i32
          %dma_wait3A_313 = tpu.memref_slice %arg4[%add3A, %dma_wait3A_312] : memref<204800x128xf32, #tpu.memory_space<hbm>> -> memref<80x128xf32, #tpu.memory_space<hbm>>
          %dma_wait3A_314 = arith.constant 0 : i32
          %dma_wait3A_315 = arith.constant 0 : i32
          %dma_wait3A_316 = tpu.memref_slice %arg6[%dma_wait3A_305, %dma_wait3A_314, %dma_wait3A_315] : memref<8x80x128xf32, #tpu.memory_space<vmem>> -> memref<1x80x128xf32, #tpu.memory_space<vmem>>
          %dma_wait3A_317 = tpu.memref_squeeze %dma_wait3A_316 : memref<1x80x128xf32, #tpu.memory_space<vmem>> -> memref<80x128xf32, #tpu.memory_space<vmem>>
          tpu.wait_dma2 semaphore(%arg22 : memref<!tpu.dma_semaphore, #tpu.memory_space<semaphore_mem>>) src(%dma_wait3A_317 : memref<80x128xf32, #tpu.memory_space<vmem>>) dst(%dma_wait3A_313 : memref<80x128xf32, #tpu.memory_space<hbm>>)
        } else {
        }
        %lt3A_301 = arith.cmpi slt, %add3A_294, %select_n3A : i32
        %convert_element_type3A_302 = arith.extui %lt3A_301 : i1 to i32
        %cond3A_303 = arith.constant 0 : i32
        %cond3A_304 = arith.cmpi ne, %convert_element_type3A_302, %cond3A_303 : i32
        scf.if %cond3A_304 {
          %mul3A_305 = arith.constant 80 : i32
          %mul3A_306 = arith.muli %add3A_294, %mul3A_305 : i32
          %dma_start3A_307 = arith.constant 7 : i32
          %dma_start3A_308 = arith.constant 0 : i32
          %dma_start3A_309 = arith.constant 0 : i32
          %dma_start3A_310 = tpu.memref_slice %arg6[%dma_start3A_307, %dma_start3A_308, %dma_start3A_309] : memref<8x80x128xf32, #tpu.memory_space<vmem>> -> memref<1x80x128xf32, #tpu.memory_space<vmem>>
          %dma_start3A_311 = tpu.memref_squeeze %dma_start3A_310 : memref<1x80x128xf32, #tpu.memory_space<vmem>> -> memref<80x128xf32, #tpu.memory_space<vmem>>
          %dma_start3A_312 = tpu.memref_slice %arg5[%mul3A_306] : memref<6560xi32, #tpu.memory_space<vmem>> -> memref<80xi32, #tpu.memory_space<vmem>>
          %dma_start3A_313 = arith.constant 0 : i32
          %dma_start3A_314 = arith.constant 0 : i32
          %dma_start3A_315 = tpu.memref_slice %arg2[%dma_start3A_313, %dma_start3A_314] : memref<100000x128xf32, #tpu.memory_space<hbm>> -> memref<100000x128xf32, #tpu.memory_space<hbm>>
          tpu.enqueue_indirect_dma source(%dma_start3A_315 : memref<100000x128xf32, #tpu.memory_space<hbm>>) target(%dma_start3A_311 : memref<80x128xf32, #tpu.memory_space<vmem>>) offsets(%dma_start3A_312 : memref<80xi32, #tpu.memory_space<vmem>>) semaphore(%arg14 : memref<!tpu.dma_semaphore, #tpu.memory_space<semaphore_mem>>)
        } else {
        }
      } else {
      }
      %add3A_225 = arith.constant 1 : i32
      %add3A_226 = arith.addi %mul3A_221, %add3A_225 : i32
      %lt3A_227 = arith.cmpi slt, %add3A_226, %select_n3A : i32
      %convert_element_type3A_228 = arith.extui %lt3A_227 : i1 to i32
      %cond3A_229 = arith.constant 0 : i32
      %cond3A_230 = arith.cmpi ne, %convert_element_type3A_228, %cond3A_229 : i32
      scf.if %cond3A_230 {
        %dma_wait3A_267 = arith.constant 1 : i32
        %dma_wait3A_268 = arith.constant 0 : i32
        %dma_wait3A_269 = arith.constant 0 : i32
        %dma_wait3A_270 = tpu.memref_slice %arg6[%dma_wait3A_267, %dma_wait3A_268, %dma_wait3A_269] : memref<8x80x128xf32, #tpu.memory_space<vmem>> -> memref<1x80x128xf32, #tpu.memory_space<vmem>>
        %dma_wait3A_271 = tpu.memref_squeeze %dma_wait3A_270 : memref<1x80x128xf32, #tpu.memory_space<vmem>> -> memref<80x128xf32, #tpu.memory_space<vmem>>
        %dma_wait3A_272 = arith.constant 0 : i32
        %dma_wait3A_273 = tpu.memref_slice %arg5[%dma_wait3A_272] : memref<6560xi32, #tpu.memory_space<vmem>> -> memref<80xi32, #tpu.memory_space<vmem>>
        %dma_wait3A_274 = arith.constant 0 : i32
        %dma_wait3A_275 = arith.constant 0 : i32
        %dma_wait3A_276 = tpu.memref_slice %arg2[%dma_wait3A_274, %dma_wait3A_275] : memref<100000x128xf32, #tpu.memory_space<hbm>> -> memref<100000x128xf32, #tpu.memory_space<hbm>>
        tpu.wait_indirect_dma semaphore(%arg8 : memref<!tpu.dma_semaphore, #tpu.memory_space<semaphore_mem>>) src(%dma_wait3A_276 : memref<100000x128xf32, #tpu.memory_space<hbm>>) dst(%dma_wait3A_271 : memref<80x128xf32, #tpu.memory_space<vmem>>)
        %mul3A_277 = arith.constant 80 : i32
        %mul3A_278 = arith.muli %add3A_226, %mul3A_277 : i32
        %add3A_279 = arith.addi %add3A, %mul3A_278 : i32
        %dma_start3A_280 = arith.constant 1 : i32
        %dma_start3A_281 = arith.constant 0 : i32
        %dma_start3A_282 = arith.constant 0 : i32
        %dma_start3A_283 = tpu.memref_slice %arg6[%dma_start3A_280, %dma_start3A_281, %dma_start3A_282] : memref<8x80x128xf32, #tpu.memory_space<vmem>> -> memref<1x80x128xf32, #tpu.memory_space<vmem>>
        %dma_start3A_284 = tpu.memref_squeeze %dma_start3A_283 : memref<1x80x128xf32, #tpu.memory_space<vmem>> -> memref<80x128xf32, #tpu.memory_space<vmem>>
        %dma_start3A_285 = arith.constant 0 : i32
        %dma_start3A_286 = tpu.memref_slice %arg4[%add3A_279, %dma_start3A_285] : memref<204800x128xf32, #tpu.memory_space<hbm>> -> memref<80x128xf32, #tpu.memory_space<hbm>>
        %dma_start3A_287 = arith.constant 0 : i32
        %dma_start3A_288 = tpu.memref_slice %arg4[%add3A_279, %dma_start3A_287] : memref<204800x128xf32, #tpu.memory_space<hbm>> -> memref<80x128xf32, #tpu.memory_space<hbm>>
        %dma_start3A_289 = arith.constant 0 : i32
        %dma_start3A_290 = arith.constant 0 : i32
        %dma_start3A_291 = tpu.memref_slice %arg6[%dma_start3A_280, %dma_start3A_289, %dma_start3A_290] : memref<8x80x128xf32, #tpu.memory_space<vmem>> -> memref<1x80x128xf32, #tpu.memory_space<vmem>>
        %dma_start3A_292 = tpu.memref_squeeze %dma_start3A_291 : memref<1x80x128xf32, #tpu.memory_space<vmem>> -> memref<80x128xf32, #tpu.memory_space<vmem>>
        tpu.enqueue_dma source(%dma_start3A_292 : memref<80x128xf32, #tpu.memory_space<vmem>>) target(%dma_start3A_288 : memref<80x128xf32, #tpu.memory_space<hbm>>) target_semaphore(%arg16 : memref<!tpu.dma_semaphore, #tpu.memory_space<semaphore_mem>>)
        %add3A_293 = arith.constant 7 : i32
        %add3A_294 = arith.addi %add3A_226, %add3A_293 : i32
        %ge3A = arith.constant 8 : i32
        %ge3A_295 = arith.cmpi sge, %add3A_294, %ge3A : i32
        %lt3A_296 = arith.cmpi slt, %add3A_294, %select_n3A : i32
        %and3A_297 = arith.andi %ge3A_295, %lt3A_296 : i1
        %convert_element_type3A_298 = arith.extui %and3A_297 : i1 to i32
        %cond3A_299 = arith.constant 0 : i32
        %cond3A_300 = arith.cmpi ne, %convert_element_type3A_298, %cond3A_299 : i32
        scf.if %cond3A_300 {
          %dma_wait3A_305 = arith.constant 0 : i32
          %dma_wait3A_306 = arith.constant 0 : i32
          %dma_wait3A_307 = arith.constant 0 : i32
          %dma_wait3A_308 = tpu.memref_slice %arg6[%dma_wait3A_305, %dma_wait3A_306, %dma_wait3A_307] : memref<8x80x128xf32, #tpu.memory_space<vmem>> -> memref<1x80x128xf32, #tpu.memory_space<vmem>>
          %dma_wait3A_309 = tpu.memref_squeeze %dma_wait3A_308 : memref<1x80x128xf32, #tpu.memory_space<vmem>> -> memref<80x128xf32, #tpu.memory_space<vmem>>
          %dma_wait3A_310 = arith.constant 0 : i32
          %dma_wait3A_311 = tpu.memref_slice %arg4[%add3A, %dma_wait3A_310] : memref<204800x128xf32, #tpu.memory_space<hbm>> -> memref<80x128xf32, #tpu.memory_space<hbm>>
          %dma_wait3A_312 = arith.constant 0 : i32
          %dma_wait3A_313 = tpu.memref_slice %arg4[%add3A, %dma_wait3A_312] : memref<204800x128xf32, #tpu.memory_space<hbm>> -> memref<80x128xf32, #tpu.memory_space<hbm>>
          %dma_wait3A_314 = arith.constant 0 : i32
          %dma_wait3A_315 = arith.constant 0 : i32
          %dma_wait3A_316 = tpu.memref_slice %arg6[%dma_wait3A_305, %dma_wait3A_314, %dma_wait3A_315] : memref<8x80x128xf32, #tpu.memory_space<vmem>> -> memref<1x80x128xf32, #tpu.memory_space<vmem>>
          %dma_wait3A_317 = tpu.memref_squeeze %dma_wait3A_316 : memref<1x80x128xf32, #tpu.memory_space<vmem>> -> memref<80x128xf32, #tpu.memory_space<vmem>>
          tpu.wait_dma2 semaphore(%arg15 : memref<!tpu.dma_semaphore, #tpu.memory_space<semaphore_mem>>) src(%dma_wait3A_317 : memref<80x128xf32, #tpu.memory_space<vmem>>) dst(%dma_wait3A_313 : memref<80x128xf32, #tpu.memory_space<hbm>>)
        } else {
        }
        %lt3A_301 = arith.cmpi slt, %add3A_294, %select_n3A : i32
        %convert_element_type3A_302 = arith.extui %lt3A_301 : i1 to i32
        %cond3A_303 = arith.constant 0 : i32
        %cond3A_304 = arith.cmpi ne, %convert_element_type3A_302, %cond3A_303 : i32
        scf.if %cond3A_304 {
          %mul3A_305 = arith.constant 80 : i32
          %mul3A_306 = arith.muli %add3A_294, %mul3A_305 : i32
          %dma_start3A_307 = arith.constant 0 : i32
          %dma_start3A_308 = arith.constant 0 : i32
          %dma_start3A_309 = arith.constant 0 : i32
          %dma_start3A_310 = tpu.memref_slice %arg6[%dma_start3A_307, %dma_start3A_308, %dma_start3A_309] : memref<8x80x128xf32, #tpu.memory_space<vmem>> -> memref<1x80x128xf32, #tpu.memory_space<vmem>>
          %dma_start3A_311 = tpu.memref_squeeze %dma_start3A_310 : memref<1x80x128xf32, #tpu.memory_space<vmem>> -> memref<80x128xf32, #tpu.memory_space<vmem>>
          %dma_start3A_312 = tpu.memref_slice %arg5[%mul3A_306] : memref<6560xi32, #tpu.memory_space<vmem>> -> memref<80xi32, #tpu.memory_space<vmem>>
          %dma_start3A_313 = arith.constant 0 : i32
          %dma_start3A_314 = arith.constant 0 : i32
          %dma_start3A_315 = tpu.memref_slice %arg2[%dma_start3A_313, %dma_start3A_314] : memref<100000x128xf32, #tpu.memory_space<hbm>> -> memref<100000x128xf32, #tpu.memory_space<hbm>>
          tpu.enqueue_indirect_dma source(%dma_start3A_315 : memref<100000x128xf32, #tpu.memory_space<hbm>>) target(%dma_start3A_311 : memref<80x128xf32, #tpu.memory_space<vmem>>) offsets(%dma_start3A_312 : memref<80xi32, #tpu.memory_space<vmem>>) semaphore(%arg7 : memref<!tpu.dma_semaphore, #tpu.memory_space<semaphore_mem>>)
        } else {
        }
      } else {
      }
      %add3A_231 = arith.constant 2 : i32
      %add3A_232 = arith.addi %mul3A_221, %add3A_231 : i32
      %lt3A_233 = arith.cmpi slt, %add3A_232, %select_n3A : i32
      %convert_element_type3A_234 = arith.extui %lt3A_233 : i1 to i32
      %cond3A_235 = arith.constant 0 : i32
      %cond3A_236 = arith.cmpi ne, %convert_element_type3A_234, %cond3A_235 : i32
      scf.if %cond3A_236 {
        %dma_wait3A_267 = arith.constant 2 : i32
        %dma_wait3A_268 = arith.constant 0 : i32
        %dma_wait3A_269 = arith.constant 0 : i32
        %dma_wait3A_270 = tpu.memref_slice %arg6[%dma_wait3A_267, %dma_wait3A_268, %dma_wait3A_269] : memref<8x80x128xf32, #tpu.memory_space<vmem>> -> memref<1x80x128xf32, #tpu.memory_space<vmem>>
        %dma_wait3A_271 = tpu.memref_squeeze %dma_wait3A_270 : memref<1x80x128xf32, #tpu.memory_space<vmem>> -> memref<80x128xf32, #tpu.memory_space<vmem>>
        %dma_wait3A_272 = arith.constant 0 : i32
        %dma_wait3A_273 = tpu.memref_slice %arg5[%dma_wait3A_272] : memref<6560xi32, #tpu.memory_space<vmem>> -> memref<80xi32, #tpu.memory_space<vmem>>
        %dma_wait3A_274 = arith.constant 0 : i32
        %dma_wait3A_275 = arith.constant 0 : i32
        %dma_wait3A_276 = tpu.memref_slice %arg2[%dma_wait3A_274, %dma_wait3A_275] : memref<100000x128xf32, #tpu.memory_space<hbm>> -> memref<100000x128xf32, #tpu.memory_space<hbm>>
        tpu.wait_indirect_dma semaphore(%arg9 : memref<!tpu.dma_semaphore, #tpu.memory_space<semaphore_mem>>) src(%dma_wait3A_276 : memref<100000x128xf32, #tpu.memory_space<hbm>>) dst(%dma_wait3A_271 : memref<80x128xf32, #tpu.memory_space<vmem>>)
        %mul3A_277 = arith.constant 80 : i32
        %mul3A_278 = arith.muli %add3A_232, %mul3A_277 : i32
        %add3A_279 = arith.addi %add3A, %mul3A_278 : i32
        %dma_start3A_280 = arith.constant 2 : i32
        %dma_start3A_281 = arith.constant 0 : i32
        %dma_start3A_282 = arith.constant 0 : i32
        %dma_start3A_283 = tpu.memref_slice %arg6[%dma_start3A_280, %dma_start3A_281, %dma_start3A_282] : memref<8x80x128xf32, #tpu.memory_space<vmem>> -> memref<1x80x128xf32, #tpu.memory_space<vmem>>
        %dma_start3A_284 = tpu.memref_squeeze %dma_start3A_283 : memref<1x80x128xf32, #tpu.memory_space<vmem>> -> memref<80x128xf32, #tpu.memory_space<vmem>>
        %dma_start3A_285 = arith.constant 0 : i32
        %dma_start3A_286 = tpu.memref_slice %arg4[%add3A_279, %dma_start3A_285] : memref<204800x128xf32, #tpu.memory_space<hbm>> -> memref<80x128xf32, #tpu.memory_space<hbm>>
        %dma_start3A_287 = arith.constant 0 : i32
        %dma_start3A_288 = tpu.memref_slice %arg4[%add3A_279, %dma_start3A_287] : memref<204800x128xf32, #tpu.memory_space<hbm>> -> memref<80x128xf32, #tpu.memory_space<hbm>>
        %dma_start3A_289 = arith.constant 0 : i32
        %dma_start3A_290 = arith.constant 0 : i32
        %dma_start3A_291 = tpu.memref_slice %arg6[%dma_start3A_280, %dma_start3A_289, %dma_start3A_290] : memref<8x80x128xf32, #tpu.memory_space<vmem>> -> memref<1x80x128xf32, #tpu.memory_space<vmem>>
        %dma_start3A_292 = tpu.memref_squeeze %dma_start3A_291 : memref<1x80x128xf32, #tpu.memory_space<vmem>> -> memref<80x128xf32, #tpu.memory_space<vmem>>
        tpu.enqueue_dma source(%dma_start3A_292 : memref<80x128xf32, #tpu.memory_space<vmem>>) target(%dma_start3A_288 : memref<80x128xf32, #tpu.memory_space<hbm>>) target_semaphore(%arg17 : memref<!tpu.dma_semaphore, #tpu.memory_space<semaphore_mem>>)
        %add3A_293 = arith.constant 7 : i32
        %add3A_294 = arith.addi %add3A_232, %add3A_293 : i32
        %ge3A = arith.constant 8 : i32
        %ge3A_295 = arith.cmpi sge, %add3A_294, %ge3A : i32
        %lt3A_296 = arith.cmpi slt, %add3A_294, %select_n3A : i32
        %and3A_297 = arith.andi %ge3A_295, %lt3A_296 : i1
        %convert_element_type3A_298 = arith.extui %and3A_297 : i1 to i32
        %cond3A_299 = arith.constant 0 : i32
        %cond3A_300 = arith.cmpi ne, %convert_element_type3A_298, %cond3A_299 : i32
        scf.if %cond3A_300 {
          %dma_wait3A_305 = arith.constant 1 : i32
          %dma_wait3A_306 = arith.constant 0 : i32
          %dma_wait3A_307 = arith.constant 0 : i32
          %dma_wait3A_308 = tpu.memref_slice %arg6[%dma_wait3A_305, %dma_wait3A_306, %dma_wait3A_307] : memref<8x80x128xf32, #tpu.memory_space<vmem>> -> memref<1x80x128xf32, #tpu.memory_space<vmem>>
          %dma_wait3A_309 = tpu.memref_squeeze %dma_wait3A_308 : memref<1x80x128xf32, #tpu.memory_space<vmem>> -> memref<80x128xf32, #tpu.memory_space<vmem>>
          %dma_wait3A_310 = arith.constant 0 : i32
          %dma_wait3A_311 = tpu.memref_slice %arg4[%add3A, %dma_wait3A_310] : memref<204800x128xf32, #tpu.memory_space<hbm>> -> memref<80x128xf32, #tpu.memory_space<hbm>>
          %dma_wait3A_312 = arith.constant 0 : i32
          %dma_wait3A_313 = tpu.memref_slice %arg4[%add3A, %dma_wait3A_312] : memref<204800x128xf32, #tpu.memory_space<hbm>> -> memref<80x128xf32, #tpu.memory_space<hbm>>
          %dma_wait3A_314 = arith.constant 0 : i32
          %dma_wait3A_315 = arith.constant 0 : i32
          %dma_wait3A_316 = tpu.memref_slice %arg6[%dma_wait3A_305, %dma_wait3A_314, %dma_wait3A_315] : memref<8x80x128xf32, #tpu.memory_space<vmem>> -> memref<1x80x128xf32, #tpu.memory_space<vmem>>
          %dma_wait3A_317 = tpu.memref_squeeze %dma_wait3A_316 : memref<1x80x128xf32, #tpu.memory_space<vmem>> -> memref<80x128xf32, #tpu.memory_space<vmem>>
          tpu.wait_dma2 semaphore(%arg16 : memref<!tpu.dma_semaphore, #tpu.memory_space<semaphore_mem>>) src(%dma_wait3A_317 : memref<80x128xf32, #tpu.memory_space<vmem>>) dst(%dma_wait3A_313 : memref<80x128xf32, #tpu.memory_space<hbm>>)
        } else {
        }
        %lt3A_301 = arith.cmpi slt, %add3A_294, %select_n3A : i32
        %convert_element_type3A_302 = arith.extui %lt3A_301 : i1 to i32
        %cond3A_303 = arith.constant 0 : i32
        %cond3A_304 = arith.cmpi ne, %convert_element_type3A_302, %cond3A_303 : i32
        scf.if %cond3A_304 {
          %mul3A_305 = arith.constant 80 : i32
          %mul3A_306 = arith.muli %add3A_294, %mul3A_305 : i32
          %dma_start3A_307 = arith.constant 1 : i32
          %dma_start3A_308 = arith.constant 0 : i32
          %dma_start3A_309 = arith.constant 0 : i32
          %dma_start3A_310 = tpu.memref_slice %arg6[%dma_start3A_307, %dma_start3A_308, %dma_start3A_309] : memref<8x80x128xf32, #tpu.memory_space<vmem>> -> memref<1x80x128xf32, #tpu.memory_space<vmem>>
          %dma_start3A_311 = tpu.memref_squeeze %dma_start3A_310 : memref<1x80x128xf32, #tpu.memory_space<vmem>> -> memref<80x128xf32, #tpu.memory_space<vmem>>
          %dma_start3A_312 = tpu.memref_slice %arg5[%mul3A_306] : memref<6560xi32, #tpu.memory_space<vmem>> -> memref<80xi32, #tpu.memory_space<vmem>>
          %dma_start3A_313 = arith.constant 0 : i32
          %dma_start3A_314 = arith.constant 0 : i32
          %dma_start3A_315 = tpu.memref_slice %arg2[%dma_start3A_313, %dma_start3A_314] : memref<100000x128xf32, #tpu.memory_space<hbm>> -> memref<100000x128xf32, #tpu.memory_space<hbm>>
          tpu.enqueue_indirect_dma source(%dma_start3A_315 : memref<100000x128xf32, #tpu.memory_space<hbm>>) target(%dma_start3A_311 : memref<80x128xf32, #tpu.memory_space<vmem>>) offsets(%dma_start3A_312 : memref<80xi32, #tpu.memory_space<vmem>>) semaphore(%arg8 : memref<!tpu.dma_semaphore, #tpu.memory_space<semaphore_mem>>)
        } else {
        }
      } else {
      }
      %add3A_237 = arith.constant 3 : i32
      %add3A_238 = arith.addi %mul3A_221, %add3A_237 : i32
      %lt3A_239 = arith.cmpi slt, %add3A_238, %select_n3A : i32
      %convert_element_type3A_240 = arith.extui %lt3A_239 : i1 to i32
      %cond3A_241 = arith.constant 0 : i32
      %cond3A_242 = arith.cmpi ne, %convert_element_type3A_240, %cond3A_241 : i32
      scf.if %cond3A_242 {
        %dma_wait3A_267 = arith.constant 3 : i32
        %dma_wait3A_268 = arith.constant 0 : i32
        %dma_wait3A_269 = arith.constant 0 : i32
        %dma_wait3A_270 = tpu.memref_slice %arg6[%dma_wait3A_267, %dma_wait3A_268, %dma_wait3A_269] : memref<8x80x128xf32, #tpu.memory_space<vmem>> -> memref<1x80x128xf32, #tpu.memory_space<vmem>>
        %dma_wait3A_271 = tpu.memref_squeeze %dma_wait3A_270 : memref<1x80x128xf32, #tpu.memory_space<vmem>> -> memref<80x128xf32, #tpu.memory_space<vmem>>
        %dma_wait3A_272 = arith.constant 0 : i32
        %dma_wait3A_273 = tpu.memref_slice %arg5[%dma_wait3A_272] : memref<6560xi32, #tpu.memory_space<vmem>> -> memref<80xi32, #tpu.memory_space<vmem>>
        %dma_wait3A_274 = arith.constant 0 : i32
        %dma_wait3A_275 = arith.constant 0 : i32
        %dma_wait3A_276 = tpu.memref_slice %arg2[%dma_wait3A_274, %dma_wait3A_275] : memref<100000x128xf32, #tpu.memory_space<hbm>> -> memref<100000x128xf32, #tpu.memory_space<hbm>>
        tpu.wait_indirect_dma semaphore(%arg10 : memref<!tpu.dma_semaphore, #tpu.memory_space<semaphore_mem>>) src(%dma_wait3A_276 : memref<100000x128xf32, #tpu.memory_space<hbm>>) dst(%dma_wait3A_271 : memref<80x128xf32, #tpu.memory_space<vmem>>)
        %mul3A_277 = arith.constant 80 : i32
        %mul3A_278 = arith.muli %add3A_238, %mul3A_277 : i32
        %add3A_279 = arith.addi %add3A, %mul3A_278 : i32
        %dma_start3A_280 = arith.constant 3 : i32
        %dma_start3A_281 = arith.constant 0 : i32
        %dma_start3A_282 = arith.constant 0 : i32
        %dma_start3A_283 = tpu.memref_slice %arg6[%dma_start3A_280, %dma_start3A_281, %dma_start3A_282] : memref<8x80x128xf32, #tpu.memory_space<vmem>> -> memref<1x80x128xf32, #tpu.memory_space<vmem>>
        %dma_start3A_284 = tpu.memref_squeeze %dma_start3A_283 : memref<1x80x128xf32, #tpu.memory_space<vmem>> -> memref<80x128xf32, #tpu.memory_space<vmem>>
        %dma_start3A_285 = arith.constant 0 : i32
        %dma_start3A_286 = tpu.memref_slice %arg4[%add3A_279, %dma_start3A_285] : memref<204800x128xf32, #tpu.memory_space<hbm>> -> memref<80x128xf32, #tpu.memory_space<hbm>>
        %dma_start3A_287 = arith.constant 0 : i32
        %dma_start3A_288 = tpu.memref_slice %arg4[%add3A_279, %dma_start3A_287] : memref<204800x128xf32, #tpu.memory_space<hbm>> -> memref<80x128xf32, #tpu.memory_space<hbm>>
        %dma_start3A_289 = arith.constant 0 : i32
        %dma_start3A_290 = arith.constant 0 : i32
        %dma_start3A_291 = tpu.memref_slice %arg6[%dma_start3A_280, %dma_start3A_289, %dma_start3A_290] : memref<8x80x128xf32, #tpu.memory_space<vmem>> -> memref<1x80x128xf32, #tpu.memory_space<vmem>>
        %dma_start3A_292 = tpu.memref_squeeze %dma_start3A_291 : memref<1x80x128xf32, #tpu.memory_space<vmem>> -> memref<80x128xf32, #tpu.memory_space<vmem>>
        tpu.enqueue_dma source(%dma_start3A_292 : memref<80x128xf32, #tpu.memory_space<vmem>>) target(%dma_start3A_288 : memref<80x128xf32, #tpu.memory_space<hbm>>) target_semaphore(%arg18 : memref<!tpu.dma_semaphore, #tpu.memory_space<semaphore_mem>>)
        %add3A_293 = arith.constant 7 : i32
        %add3A_294 = arith.addi %add3A_238, %add3A_293 : i32
        %ge3A = arith.constant 8 : i32
        %ge3A_295 = arith.cmpi sge, %add3A_294, %ge3A : i32
        %lt3A_296 = arith.cmpi slt, %add3A_294, %select_n3A : i32
        %and3A_297 = arith.andi %ge3A_295, %lt3A_296 : i1
        %convert_element_type3A_298 = arith.extui %and3A_297 : i1 to i32
        %cond3A_299 = arith.constant 0 : i32
        %cond3A_300 = arith.cmpi ne, %convert_element_type3A_298, %cond3A_299 : i32
        scf.if %cond3A_300 {
          %dma_wait3A_305 = arith.constant 2 : i32
          %dma_wait3A_306 = arith.constant 0 : i32
          %dma_wait3A_307 = arith.constant 0 : i32
          %dma_wait3A_308 = tpu.memref_slice %arg6[%dma_wait3A_305, %dma_wait3A_306, %dma_wait3A_307] : memref<8x80x128xf32, #tpu.memory_space<vmem>> -> memref<1x80x128xf32, #tpu.memory_space<vmem>>
          %dma_wait3A_309 = tpu.memref_squeeze %dma_wait3A_308 : memref<1x80x128xf32, #tpu.memory_space<vmem>> -> memref<80x128xf32, #tpu.memory_space<vmem>>
          %dma_wait3A_310 = arith.constant 0 : i32
          %dma_wait3A_311 = tpu.memref_slice %arg4[%add3A, %dma_wait3A_310] : memref<204800x128xf32, #tpu.memory_space<hbm>> -> memref<80x128xf32, #tpu.memory_space<hbm>>
          %dma_wait3A_312 = arith.constant 0 : i32
          %dma_wait3A_313 = tpu.memref_slice %arg4[%add3A, %dma_wait3A_312] : memref<204800x128xf32, #tpu.memory_space<hbm>> -> memref<80x128xf32, #tpu.memory_space<hbm>>
          %dma_wait3A_314 = arith.constant 0 : i32
          %dma_wait3A_315 = arith.constant 0 : i32
          %dma_wait3A_316 = tpu.memref_slice %arg6[%dma_wait3A_305, %dma_wait3A_314, %dma_wait3A_315] : memref<8x80x128xf32, #tpu.memory_space<vmem>> -> memref<1x80x128xf32, #tpu.memory_space<vmem>>
          %dma_wait3A_317 = tpu.memref_squeeze %dma_wait3A_316 : memref<1x80x128xf32, #tpu.memory_space<vmem>> -> memref<80x128xf32, #tpu.memory_space<vmem>>
          tpu.wait_dma2 semaphore(%arg17 : memref<!tpu.dma_semaphore, #tpu.memory_space<semaphore_mem>>) src(%dma_wait3A_317 : memref<80x128xf32, #tpu.memory_space<vmem>>) dst(%dma_wait3A_313 : memref<80x128xf32, #tpu.memory_space<hbm>>)
        } else {
        }
        %lt3A_301 = arith.cmpi slt, %add3A_294, %select_n3A : i32
        %convert_element_type3A_302 = arith.extui %lt3A_301 : i1 to i32
        %cond3A_303 = arith.constant 0 : i32
        %cond3A_304 = arith.cmpi ne, %convert_element_type3A_302, %cond3A_303 : i32
        scf.if %cond3A_304 {
          %mul3A_305 = arith.constant 80 : i32
          %mul3A_306 = arith.muli %add3A_294, %mul3A_305 : i32
          %dma_start3A_307 = arith.constant 2 : i32
          %dma_start3A_308 = arith.constant 0 : i32
          %dma_start3A_309 = arith.constant 0 : i32
          %dma_start3A_310 = tpu.memref_slice %arg6[%dma_start3A_307, %dma_start3A_308, %dma_start3A_309] : memref<8x80x128xf32, #tpu.memory_space<vmem>> -> memref<1x80x128xf32, #tpu.memory_space<vmem>>
          %dma_start3A_311 = tpu.memref_squeeze %dma_start3A_310 : memref<1x80x128xf32, #tpu.memory_space<vmem>> -> memref<80x128xf32, #tpu.memory_space<vmem>>
          %dma_start3A_312 = tpu.memref_slice %arg5[%mul3A_306] : memref<6560xi32, #tpu.memory_space<vmem>> -> memref<80xi32, #tpu.memory_space<vmem>>
          %dma_start3A_313 = arith.constant 0 : i32
          %dma_start3A_314 = arith.constant 0 : i32
          %dma_start3A_315 = tpu.memref_slice %arg2[%dma_start3A_313, %dma_start3A_314] : memref<100000x128xf32, #tpu.memory_space<hbm>> -> memref<100000x128xf32, #tpu.memory_space<hbm>>
          tpu.enqueue_indirect_dma source(%dma_start3A_315 : memref<100000x128xf32, #tpu.memory_space<hbm>>) target(%dma_start3A_311 : memref<80x128xf32, #tpu.memory_space<vmem>>) offsets(%dma_start3A_312 : memref<80xi32, #tpu.memory_space<vmem>>) semaphore(%arg9 : memref<!tpu.dma_semaphore, #tpu.memory_space<semaphore_mem>>)
        } else {
        }
      } else {
      }
      %add3A_243 = arith.constant 4 : i32
      %add3A_244 = arith.addi %mul3A_221, %add3A_243 : i32
      %lt3A_245 = arith.cmpi slt, %add3A_244, %select_n3A : i32
      %convert_element_type3A_246 = arith.extui %lt3A_245 : i1 to i32
      %cond3A_247 = arith.constant 0 : i32
      %cond3A_248 = arith.cmpi ne, %convert_element_type3A_246, %cond3A_247 : i32
      scf.if %cond3A_248 {
        %dma_wait3A_267 = arith.constant 4 : i32
        %dma_wait3A_268 = arith.constant 0 : i32
        %dma_wait3A_269 = arith.constant 0 : i32
        %dma_wait3A_270 = tpu.memref_slice %arg6[%dma_wait3A_267, %dma_wait3A_268, %dma_wait3A_269] : memref<8x80x128xf32, #tpu.memory_space<vmem>> -> memref<1x80x128xf32, #tpu.memory_space<vmem>>
        %dma_wait3A_271 = tpu.memref_squeeze %dma_wait3A_270 : memref<1x80x128xf32, #tpu.memory_space<vmem>> -> memref<80x128xf32, #tpu.memory_space<vmem>>
        %dma_wait3A_272 = arith.constant 0 : i32
        %dma_wait3A_273 = tpu.memref_slice %arg5[%dma_wait3A_272] : memref<6560xi32, #tpu.memory_space<vmem>> -> memref<80xi32, #tpu.memory_space<vmem>>
        %dma_wait3A_274 = arith.constant 0 : i32
        %dma_wait3A_275 = arith.constant 0 : i32
        %dma_wait3A_276 = tpu.memref_slice %arg2[%dma_wait3A_274, %dma_wait3A_275] : memref<100000x128xf32, #tpu.memory_space<hbm>> -> memref<100000x128xf32, #tpu.memory_space<hbm>>
        tpu.wait_indirect_dma semaphore(%arg11 : memref<!tpu.dma_semaphore, #tpu.memory_space<semaphore_mem>>) src(%dma_wait3A_276 : memref<100000x128xf32, #tpu.memory_space<hbm>>) dst(%dma_wait3A_271 : memref<80x128xf32, #tpu.memory_space<vmem>>)
        %mul3A_277 = arith.constant 80 : i32
        %mul3A_278 = arith.muli %add3A_244, %mul3A_277 : i32
        %add3A_279 = arith.addi %add3A, %mul3A_278 : i32
        %dma_start3A_280 = arith.constant 4 : i32
        %dma_start3A_281 = arith.constant 0 : i32
        %dma_start3A_282 = arith.constant 0 : i32
        %dma_start3A_283 = tpu.memref_slice %arg6[%dma_start3A_280, %dma_start3A_281, %dma_start3A_282] : memref<8x80x128xf32, #tpu.memory_space<vmem>> -> memref<1x80x128xf32, #tpu.memory_space<vmem>>
        %dma_start3A_284 = tpu.memref_squeeze %dma_start3A_283 : memref<1x80x128xf32, #tpu.memory_space<vmem>> -> memref<80x128xf32, #tpu.memory_space<vmem>>
        %dma_start3A_285 = arith.constant 0 : i32
        %dma_start3A_286 = tpu.memref_slice %arg4[%add3A_279, %dma_start3A_285] : memref<204800x128xf32, #tpu.memory_space<hbm>> -> memref<80x128xf32, #tpu.memory_space<hbm>>
        %dma_start3A_287 = arith.constant 0 : i32
        %dma_start3A_288 = tpu.memref_slice %arg4[%add3A_279, %dma_start3A_287] : memref<204800x128xf32, #tpu.memory_space<hbm>> -> memref<80x128xf32, #tpu.memory_space<hbm>>
        %dma_start3A_289 = arith.constant 0 : i32
        %dma_start3A_290 = arith.constant 0 : i32
        %dma_start3A_291 = tpu.memref_slice %arg6[%dma_start3A_280, %dma_start3A_289, %dma_start3A_290] : memref<8x80x128xf32, #tpu.memory_space<vmem>> -> memref<1x80x128xf32, #tpu.memory_space<vmem>>
        %dma_start3A_292 = tpu.memref_squeeze %dma_start3A_291 : memref<1x80x128xf32, #tpu.memory_space<vmem>> -> memref<80x128xf32, #tpu.memory_space<vmem>>
        tpu.enqueue_dma source(%dma_start3A_292 : memref<80x128xf32, #tpu.memory_space<vmem>>) target(%dma_start3A_288 : memref<80x128xf32, #tpu.memory_space<hbm>>) target_semaphore(%arg19 : memref<!tpu.dma_semaphore, #tpu.memory_space<semaphore_mem>>)
        %add3A_293 = arith.constant 7 : i32
        %add3A_294 = arith.addi %add3A_244, %add3A_293 : i32
        %ge3A = arith.constant 8 : i32
        %ge3A_295 = arith.cmpi sge, %add3A_294, %ge3A : i32
        %lt3A_296 = arith.cmpi slt, %add3A_294, %select_n3A : i32
        %and3A_297 = arith.andi %ge3A_295, %lt3A_296 : i1
        %convert_element_type3A_298 = arith.extui %and3A_297 : i1 to i32
        %cond3A_299 = arith.constant 0 : i32
        %cond3A_300 = arith.cmpi ne, %convert_element_type3A_298, %cond3A_299 : i32
        scf.if %cond3A_300 {
          %dma_wait3A_305 = arith.constant 3 : i32
          %dma_wait3A_306 = arith.constant 0 : i32
          %dma_wait3A_307 = arith.constant 0 : i32
          %dma_wait3A_308 = tpu.memref_slice %arg6[%dma_wait3A_305, %dma_wait3A_306, %dma_wait3A_307] : memref<8x80x128xf32, #tpu.memory_space<vmem>> -> memref<1x80x128xf32, #tpu.memory_space<vmem>>
          %dma_wait3A_309 = tpu.memref_squeeze %dma_wait3A_308 : memref<1x80x128xf32, #tpu.memory_space<vmem>> -> memref<80x128xf32, #tpu.memory_space<vmem>>
          %dma_wait3A_310 = arith.constant 0 : i32
          %dma_wait3A_311 = tpu.memref_slice %arg4[%add3A, %dma_wait3A_310] : memref<204800x128xf32, #tpu.memory_space<hbm>> -> memref<80x128xf32, #tpu.memory_space<hbm>>
          %dma_wait3A_312 = arith.constant 0 : i32
          %dma_wait3A_313 = tpu.memref_slice %arg4[%add3A, %dma_wait3A_312] : memref<204800x128xf32, #tpu.memory_space<hbm>> -> memref<80x128xf32, #tpu.memory_space<hbm>>
          %dma_wait3A_314 = arith.constant 0 : i32
          %dma_wait3A_315 = arith.constant 0 : i32
          %dma_wait3A_316 = tpu.memref_slice %arg6[%dma_wait3A_305, %dma_wait3A_314, %dma_wait3A_315] : memref<8x80x128xf32, #tpu.memory_space<vmem>> -> memref<1x80x128xf32, #tpu.memory_space<vmem>>
          %dma_wait3A_317 = tpu.memref_squeeze %dma_wait3A_316 : memref<1x80x128xf32, #tpu.memory_space<vmem>> -> memref<80x128xf32, #tpu.memory_space<vmem>>
          tpu.wait_dma2 semaphore(%arg18 : memref<!tpu.dma_semaphore, #tpu.memory_space<semaphore_mem>>) src(%dma_wait3A_317 : memref<80x128xf32, #tpu.memory_space<vmem>>) dst(%dma_wait3A_313 : memref<80x128xf32, #tpu.memory_space<hbm>>)
        } else {
        }
        %lt3A_301 = arith.cmpi slt, %add3A_294, %select_n3A : i32
        %convert_element_type3A_302 = arith.extui %lt3A_301 : i1 to i32
        %cond3A_303 = arith.constant 0 : i32
        %cond3A_304 = arith.cmpi ne, %convert_element_type3A_302, %cond3A_303 : i32
        scf.if %cond3A_304 {
          %mul3A_305 = arith.constant 80 : i32
          %mul3A_306 = arith.muli %add3A_294, %mul3A_305 : i32
          %dma_start3A_307 = arith.constant 3 : i32
          %dma_start3A_308 = arith.constant 0 : i32
          %dma_start3A_309 = arith.constant 0 : i32
          %dma_start3A_310 = tpu.memref_slice %arg6[%dma_start3A_307, %dma_start3A_308, %dma_start3A_309] : memref<8x80x128xf32, #tpu.memory_space<vmem>> -> memref<1x80x128xf32, #tpu.memory_space<vmem>>
          %dma_start3A_311 = tpu.memref_squeeze %dma_start3A_310 : memref<1x80x128xf32, #tpu.memory_space<vmem>> -> memref<80x128xf32, #tpu.memory_space<vmem>>
          %dma_start3A_312 = tpu.memref_slice %arg5[%mul3A_306] : memref<6560xi32, #tpu.memory_space<vmem>> -> memref<80xi32, #tpu.memory_space<vmem>>
          %dma_start3A_313 = arith.constant 0 : i32
          %dma_start3A_314 = arith.constant 0 : i32
          %dma_start3A_315 = tpu.memref_slice %arg2[%dma_start3A_313, %dma_start3A_314] : memref<100000x128xf32, #tpu.memory_space<hbm>> -> memref<100000x128xf32, #tpu.memory_space<hbm>>
          tpu.enqueue_indirect_dma source(%dma_start3A_315 : memref<100000x128xf32, #tpu.memory_space<hbm>>) target(%dma_start3A_311 : memref<80x128xf32, #tpu.memory_space<vmem>>) offsets(%dma_start3A_312 : memref<80xi32, #tpu.memory_space<vmem>>) semaphore(%arg10 : memref<!tpu.dma_semaphore, #tpu.memory_space<semaphore_mem>>)
        } else {
        }
      } else {
      }
      %add3A_249 = arith.constant 5 : i32
      %add3A_250 = arith.addi %mul3A_221, %add3A_249 : i32
      %lt3A_251 = arith.cmpi slt, %add3A_250, %select_n3A : i32
      %convert_element_type3A_252 = arith.extui %lt3A_251 : i1 to i32
      %cond3A_253 = arith.constant 0 : i32
      %cond3A_254 = arith.cmpi ne, %convert_element_type3A_252, %cond3A_253 : i32
      scf.if %cond3A_254 {
        %dma_wait3A_267 = arith.constant 5 : i32
        %dma_wait3A_268 = arith.constant 0 : i32
        %dma_wait3A_269 = arith.constant 0 : i32
        %dma_wait3A_270 = tpu.memref_slice %arg6[%dma_wait3A_267, %dma_wait3A_268, %dma_wait3A_269] : memref<8x80x128xf32, #tpu.memory_space<vmem>> -> memref<1x80x128xf32, #tpu.memory_space<vmem>>
        %dma_wait3A_271 = tpu.memref_squeeze %dma_wait3A_270 : memref<1x80x128xf32, #tpu.memory_space<vmem>> -> memref<80x128xf32, #tpu.memory_space<vmem>>
        %dma_wait3A_272 = arith.constant 0 : i32
        %dma_wait3A_273 = tpu.memref_slice %arg5[%dma_wait3A_272] : memref<6560xi32, #tpu.memory_space<vmem>> -> memref<80xi32, #tpu.memory_space<vmem>>
        %dma_wait3A_274 = arith.constant 0 : i32
        %dma_wait3A_275 = arith.constant 0 : i32
        %dma_wait3A_276 = tpu.memref_slice %arg2[%dma_wait3A_274, %dma_wait3A_275] : memref<100000x128xf32, #tpu.memory_space<hbm>> -> memref<100000x128xf32, #tpu.memory_space<hbm>>
        tpu.wait_indirect_dma semaphore(%arg12 : memref<!tpu.dma_semaphore, #tpu.memory_space<semaphore_mem>>) src(%dma_wait3A_276 : memref<100000x128xf32, #tpu.memory_space<hbm>>) dst(%dma_wait3A_271 : memref<80x128xf32, #tpu.memory_space<vmem>>)
        %mul3A_277 = arith.constant 80 : i32
        %mul3A_278 = arith.muli %add3A_250, %mul3A_277 : i32
        %add3A_279 = arith.addi %add3A, %mul3A_278 : i32
        %dma_start3A_280 = arith.constant 5 : i32
        %dma_start3A_281 = arith.constant 0 : i32
        %dma_start3A_282 = arith.constant 0 : i32
        %dma_start3A_283 = tpu.memref_slice %arg6[%dma_start3A_280, %dma_start3A_281, %dma_start3A_282] : memref<8x80x128xf32, #tpu.memory_space<vmem>> -> memref<1x80x128xf32, #tpu.memory_space<vmem>>
        %dma_start3A_284 = tpu.memref_squeeze %dma_start3A_283 : memref<1x80x128xf32, #tpu.memory_space<vmem>> -> memref<80x128xf32, #tpu.memory_space<vmem>>
        %dma_start3A_285 = arith.constant 0 : i32
        %dma_start3A_286 = tpu.memref_slice %arg4[%add3A_279, %dma_start3A_285] : memref<204800x128xf32, #tpu.memory_space<hbm>> -> memref<80x128xf32, #tpu.memory_space<hbm>>
        %dma_start3A_287 = arith.constant 0 : i32
        %dma_start3A_288 = tpu.memref_slice %arg4[%add3A_279, %dma_start3A_287] : memref<204800x128xf32, #tpu.memory_space<hbm>> -> memref<80x128xf32, #tpu.memory_space<hbm>>
        %dma_start3A_289 = arith.constant 0 : i32
        %dma_start3A_290 = arith.constant 0 : i32
        %dma_start3A_291 = tpu.memref_slice %arg6[%dma_start3A_280, %dma_start3A_289, %dma_start3A_290] : memref<8x80x128xf32, #tpu.memory_space<vmem>> -> memref<1x80x128xf32, #tpu.memory_space<vmem>>
        %dma_start3A_292 = tpu.memref_squeeze %dma_start3A_291 : memref<1x80x128xf32, #tpu.memory_space<vmem>> -> memref<80x128xf32, #tpu.memory_space<vmem>>
        tpu.enqueue_dma source(%dma_start3A_292 : memref<80x128xf32, #tpu.memory_space<vmem>>) target(%dma_start3A_288 : memref<80x128xf32, #tpu.memory_space<hbm>>) target_semaphore(%arg20 : memref<!tpu.dma_semaphore, #tpu.memory_space<semaphore_mem>>)
        %add3A_293 = arith.constant 7 : i32
        %add3A_294 = arith.addi %add3A_250, %add3A_293 : i32
        %ge3A = arith.constant 8 : i32
        %ge3A_295 = arith.cmpi sge, %add3A_294, %ge3A : i32
        %lt3A_296 = arith.cmpi slt, %add3A_294, %select_n3A : i32
        %and3A_297 = arith.andi %ge3A_295, %lt3A_296 : i1
        %convert_element_type3A_298 = arith.extui %and3A_297 : i1 to i32
        %cond3A_299 = arith.constant 0 : i32
        %cond3A_300 = arith.cmpi ne, %convert_element_type3A_298, %cond3A_299 : i32
        scf.if %cond3A_300 {
          %dma_wait3A_305 = arith.constant 4 : i32
          %dma_wait3A_306 = arith.constant 0 : i32
          %dma_wait3A_307 = arith.constant 0 : i32
          %dma_wait3A_308 = tpu.memref_slice %arg6[%dma_wait3A_305, %dma_wait3A_306, %dma_wait3A_307] : memref<8x80x128xf32, #tpu.memory_space<vmem>> -> memref<1x80x128xf32, #tpu.memory_space<vmem>>
          %dma_wait3A_309 = tpu.memref_squeeze %dma_wait3A_308 : memref<1x80x128xf32, #tpu.memory_space<vmem>> -> memref<80x128xf32, #tpu.memory_space<vmem>>
          %dma_wait3A_310 = arith.constant 0 : i32
          %dma_wait3A_311 = tpu.memref_slice %arg4[%add3A, %dma_wait3A_310] : memref<204800x128xf32, #tpu.memory_space<hbm>> -> memref<80x128xf32, #tpu.memory_space<hbm>>
          %dma_wait3A_312 = arith.constant 0 : i32
          %dma_wait3A_313 = tpu.memref_slice %arg4[%add3A, %dma_wait3A_312] : memref<204800x128xf32, #tpu.memory_space<hbm>> -> memref<80x128xf32, #tpu.memory_space<hbm>>
          %dma_wait3A_314 = arith.constant 0 : i32
          %dma_wait3A_315 = arith.constant 0 : i32
          %dma_wait3A_316 = tpu.memref_slice %arg6[%dma_wait3A_305, %dma_wait3A_314, %dma_wait3A_315] : memref<8x80x128xf32, #tpu.memory_space<vmem>> -> memref<1x80x128xf32, #tpu.memory_space<vmem>>
          %dma_wait3A_317 = tpu.memref_squeeze %dma_wait3A_316 : memref<1x80x128xf32, #tpu.memory_space<vmem>> -> memref<80x128xf32, #tpu.memory_space<vmem>>
          tpu.wait_dma2 semaphore(%arg19 : memref<!tpu.dma_semaphore, #tpu.memory_space<semaphore_mem>>) src(%dma_wait3A_317 : memref<80x128xf32, #tpu.memory_space<vmem>>) dst(%dma_wait3A_313 : memref<80x128xf32, #tpu.memory_space<hbm>>)
        } else {
        }
        %lt3A_301 = arith.cmpi slt, %add3A_294, %select_n3A : i32
        %convert_element_type3A_302 = arith.extui %lt3A_301 : i1 to i32
        %cond3A_303 = arith.constant 0 : i32
        %cond3A_304 = arith.cmpi ne, %convert_element_type3A_302, %cond3A_303 : i32
        scf.if %cond3A_304 {
          %mul3A_305 = arith.constant 80 : i32
          %mul3A_306 = arith.muli %add3A_294, %mul3A_305 : i32
          %dma_start3A_307 = arith.constant 4 : i32
          %dma_start3A_308 = arith.constant 0 : i32
          %dma_start3A_309 = arith.constant 0 : i32
          %dma_start3A_310 = tpu.memref_slice %arg6[%dma_start3A_307, %dma_start3A_308, %dma_start3A_309] : memref<8x80x128xf32, #tpu.memory_space<vmem>> -> memref<1x80x128xf32, #tpu.memory_space<vmem>>
          %dma_start3A_311 = tpu.memref_squeeze %dma_start3A_310 : memref<1x80x128xf32, #tpu.memory_space<vmem>> -> memref<80x128xf32, #tpu.memory_space<vmem>>
          %dma_start3A_312 = tpu.memref_slice %arg5[%mul3A_306] : memref<6560xi32, #tpu.memory_space<vmem>> -> memref<80xi32, #tpu.memory_space<vmem>>
          %dma_start3A_313 = arith.constant 0 : i32
          %dma_start3A_314 = arith.constant 0 : i32
          %dma_start3A_315 = tpu.memref_slice %arg2[%dma_start3A_313, %dma_start3A_314] : memref<100000x128xf32, #tpu.memory_space<hbm>> -> memref<100000x128xf32, #tpu.memory_space<hbm>>
          tpu.enqueue_indirect_dma source(%dma_start3A_315 : memref<100000x128xf32, #tpu.memory_space<hbm>>) target(%dma_start3A_311 : memref<80x128xf32, #tpu.memory_space<vmem>>) offsets(%dma_start3A_312 : memref<80xi32, #tpu.memory_space<vmem>>) semaphore(%arg11 : memref<!tpu.dma_semaphore, #tpu.memory_space<semaphore_mem>>)
        } else {
        }
      } else {
      }
      %add3A_255 = arith.constant 6 : i32
      %add3A_256 = arith.addi %mul3A_221, %add3A_255 : i32
      %lt3A_257 = arith.cmpi slt, %add3A_256, %select_n3A : i32
      %convert_element_type3A_258 = arith.extui %lt3A_257 : i1 to i32
      %cond3A_259 = arith.constant 0 : i32
      %cond3A_260 = arith.cmpi ne, %convert_element_type3A_258, %cond3A_259 : i32
      scf.if %cond3A_260 {
        %dma_wait3A_267 = arith.constant 6 : i32
        %dma_wait3A_268 = arith.constant 0 : i32
        %dma_wait3A_269 = arith.constant 0 : i32
        %dma_wait3A_270 = tpu.memref_slice %arg6[%dma_wait3A_267, %dma_wait3A_268, %dma_wait3A_269] : memref<8x80x128xf32, #tpu.memory_space<vmem>> -> memref<1x80x128xf32, #tpu.memory_space<vmem>>
        %dma_wait3A_271 = tpu.memref_squeeze %dma_wait3A_270 : memref<1x80x128xf32, #tpu.memory_space<vmem>> -> memref<80x128xf32, #tpu.memory_space<vmem>>
        %dma_wait3A_272 = arith.constant 0 : i32
        %dma_wait3A_273 = tpu.memref_slice %arg5[%dma_wait3A_272] : memref<6560xi32, #tpu.memory_space<vmem>> -> memref<80xi32, #tpu.memory_space<vmem>>
        %dma_wait3A_274 = arith.constant 0 : i32
        %dma_wait3A_275 = arith.constant 0 : i32
        %dma_wait3A_276 = tpu.memref_slice %arg2[%dma_wait3A_274, %dma_wait3A_275] : memref<100000x128xf32, #tpu.memory_space<hbm>> -> memref<100000x128xf32, #tpu.memory_space<hbm>>
        tpu.wait_indirect_dma semaphore(%arg13 : memref<!tpu.dma_semaphore, #tpu.memory_space<semaphore_mem>>) src(%dma_wait3A_276 : memref<100000x128xf32, #tpu.memory_space<hbm>>) dst(%dma_wait3A_271 : memref<80x128xf32, #tpu.memory_space<vmem>>)
        %mul3A_277 = arith.constant 80 : i32
        %mul3A_278 = arith.muli %add3A_256, %mul3A_277 : i32
        %add3A_279 = arith.addi %add3A, %mul3A_278 : i32
        %dma_start3A_280 = arith.constant 6 : i32
        %dma_start3A_281 = arith.constant 0 : i32
        %dma_start3A_282 = arith.constant 0 : i32
        %dma_start3A_283 = tpu.memref_slice %arg6[%dma_start3A_280, %dma_start3A_281, %dma_start3A_282] : memref<8x80x128xf32, #tpu.memory_space<vmem>> -> memref<1x80x128xf32, #tpu.memory_space<vmem>>
        %dma_start3A_284 = tpu.memref_squeeze %dma_start3A_283 : memref<1x80x128xf32, #tpu.memory_space<vmem>> -> memref<80x128xf32, #tpu.memory_space<vmem>>
        %dma_start3A_285 = arith.constant 0 : i32
        %dma_start3A_286 = tpu.memref_slice %arg4[%add3A_279, %dma_start3A_285] : memref<204800x128xf32, #tpu.memory_space<hbm>> -> memref<80x128xf32, #tpu.memory_space<hbm>>
        %dma_start3A_287 = arith.constant 0 : i32
        %dma_start3A_288 = tpu.memref_slice %arg4[%add3A_279, %dma_start3A_287] : memref<204800x128xf32, #tpu.memory_space<hbm>> -> memref<80x128xf32, #tpu.memory_space<hbm>>
        %dma_start3A_289 = arith.constant 0 : i32
        %dma_start3A_290 = arith.constant 0 : i32
        %dma_start3A_291 = tpu.memref_slice %arg6[%dma_start3A_280, %dma_start3A_289, %dma_start3A_290] : memref<8x80x128xf32, #tpu.memory_space<vmem>> -> memref<1x80x128xf32, #tpu.memory_space<vmem>>
        %dma_start3A_292 = tpu.memref_squeeze %dma_start3A_291 : memref<1x80x128xf32, #tpu.memory_space<vmem>> -> memref<80x128xf32, #tpu.memory_space<vmem>>
        tpu.enqueue_dma source(%dma_start3A_292 : memref<80x128xf32, #tpu.memory_space<vmem>>) target(%dma_start3A_288 : memref<80x128xf32, #tpu.memory_space<hbm>>) target_semaphore(%arg21 : memref<!tpu.dma_semaphore, #tpu.memory_space<semaphore_mem>>)
        %add3A_293 = arith.constant 7 : i32
        %add3A_294 = arith.addi %add3A_256, %add3A_293 : i32
        %ge3A = arith.constant 8 : i32
        %ge3A_295 = arith.cmpi sge, %add3A_294, %ge3A : i32
        %lt3A_296 = arith.cmpi slt, %add3A_294, %select_n3A : i32
        %and3A_297 = arith.andi %ge3A_295, %lt3A_296 : i1
        %convert_element_type3A_298 = arith.extui %and3A_297 : i1 to i32
        %cond3A_299 = arith.constant 0 : i32
        %cond3A_300 = arith.cmpi ne, %convert_element_type3A_298, %cond3A_299 : i32
        scf.if %cond3A_300 {
          %dma_wait3A_305 = arith.constant 5 : i32
          %dma_wait3A_306 = arith.constant 0 : i32
          %dma_wait3A_307 = arith.constant 0 : i32
          %dma_wait3A_308 = tpu.memref_slice %arg6[%dma_wait3A_305, %dma_wait3A_306, %dma_wait3A_307] : memref<8x80x128xf32, #tpu.memory_space<vmem>> -> memref<1x80x128xf32, #tpu.memory_space<vmem>>
          %dma_wait3A_309 = tpu.memref_squeeze %dma_wait3A_308 : memref<1x80x128xf32, #tpu.memory_space<vmem>> -> memref<80x128xf32, #tpu.memory_space<vmem>>
          %dma_wait3A_310 = arith.constant 0 : i32
          %dma_wait3A_311 = tpu.memref_slice %arg4[%add3A, %dma_wait3A_310] : memref<204800x128xf32, #tpu.memory_space<hbm>> -> memref<80x128xf32, #tpu.memory_space<hbm>>
          %dma_wait3A_312 = arith.constant 0 : i32
          %dma_wait3A_313 = tpu.memref_slice %arg4[%add3A, %dma_wait3A_312] : memref<204800x128xf32, #tpu.memory_space<hbm>> -> memref<80x128xf32, #tpu.memory_space<hbm>>
          %dma_wait3A_314 = arith.constant 0 : i32
          %dma_wait3A_315 = arith.constant 0 : i32
          %dma_wait3A_316 = tpu.memref_slice %arg6[%dma_wait3A_305, %dma_wait3A_314, %dma_wait3A_315] : memref<8x80x128xf32, #tpu.memory_space<vmem>> -> memref<1x80x128xf32, #tpu.memory_space<vmem>>
          %dma_wait3A_317 = tpu.memref_squeeze %dma_wait3A_316 : memref<1x80x128xf32, #tpu.memory_space<vmem>> -> memref<80x128xf32, #tpu.memory_space<vmem>>
          tpu.wait_dma2 semaphore(%arg20 : memref<!tpu.dma_semaphore, #tpu.memory_space<semaphore_mem>>) src(%dma_wait3A_317 : memref<80x128xf32, #tpu.memory_space<vmem>>) dst(%dma_wait3A_313 : memref<80x128xf32, #tpu.memory_space<hbm>>)
        } else {
        }
        %lt3A_301 = arith.cmpi slt, %add3A_294, %select_n3A : i32
        %convert_element_type3A_302 = arith.extui %lt3A_301 : i1 to i32
        %cond3A_303 = arith.constant 0 : i32
        %cond3A_304 = arith.cmpi ne, %convert_element_type3A_302, %cond3A_303 : i32
        scf.if %cond3A_304 {
          %mul3A_305 = arith.constant 80 : i32
          %mul3A_306 = arith.muli %add3A_294, %mul3A_305 : i32
          %dma_start3A_307 = arith.constant 5 : i32
          %dma_start3A_308 = arith.constant 0 : i32
          %dma_start3A_309 = arith.constant 0 : i32
          %dma_start3A_310 = tpu.memref_slice %arg6[%dma_start3A_307, %dma_start3A_308, %dma_start3A_309] : memref<8x80x128xf32, #tpu.memory_space<vmem>> -> memref<1x80x128xf32, #tpu.memory_space<vmem>>
          %dma_start3A_311 = tpu.memref_squeeze %dma_start3A_310 : memref<1x80x128xf32, #tpu.memory_space<vmem>> -> memref<80x128xf32, #tpu.memory_space<vmem>>
          %dma_start3A_312 = tpu.memref_slice %arg5[%mul3A_306] : memref<6560xi32, #tpu.memory_space<vmem>> -> memref<80xi32, #tpu.memory_space<vmem>>
          %dma_start3A_313 = arith.constant 0 : i32
          %dma_start3A_314 = arith.constant 0 : i32
          %dma_start3A_315 = tpu.memref_slice %arg2[%dma_start3A_313, %dma_start3A_314] : memref<100000x128xf32, #tpu.memory_space<hbm>> -> memref<100000x128xf32, #tpu.memory_space<hbm>>
          tpu.enqueue_indirect_dma source(%dma_start3A_315 : memref<100000x128xf32, #tpu.memory_space<hbm>>) target(%dma_start3A_311 : memref<80x128xf32, #tpu.memory_space<vmem>>) offsets(%dma_start3A_312 : memref<80xi32, #tpu.memory_space<vmem>>) semaphore(%arg12 : memref<!tpu.dma_semaphore, #tpu.memory_space<semaphore_mem>>)
        } else {
        }
      } else {
      }
      %add3A_261 = arith.constant 7 : i32
      %add3A_262 = arith.addi %mul3A_221, %add3A_261 : i32
      %lt3A_263 = arith.cmpi slt, %add3A_262, %select_n3A : i32
      %convert_element_type3A_264 = arith.extui %lt3A_263 : i1 to i32
      %cond3A_265 = arith.constant 0 : i32
      %cond3A_266 = arith.cmpi ne, %convert_element_type3A_264, %cond3A_265 : i32
      scf.if %cond3A_266 {
        %dma_wait3A_267 = arith.constant 7 : i32
        %dma_wait3A_268 = arith.constant 0 : i32
        %dma_wait3A_269 = arith.constant 0 : i32
        %dma_wait3A_270 = tpu.memref_slice %arg6[%dma_wait3A_267, %dma_wait3A_268, %dma_wait3A_269] : memref<8x80x128xf32, #tpu.memory_space<vmem>> -> memref<1x80x128xf32, #tpu.memory_space<vmem>>
        %dma_wait3A_271 = tpu.memref_squeeze %dma_wait3A_270 : memref<1x80x128xf32, #tpu.memory_space<vmem>> -> memref<80x128xf32, #tpu.memory_space<vmem>>
        %dma_wait3A_272 = arith.constant 0 : i32
        %dma_wait3A_273 = tpu.memref_slice %arg5[%dma_wait3A_272] : memref<6560xi32, #tpu.memory_space<vmem>> -> memref<80xi32, #tpu.memory_space<vmem>>
        %dma_wait3A_274 = arith.constant 0 : i32
        %dma_wait3A_275 = arith.constant 0 : i32
        %dma_wait3A_276 = tpu.memref_slice %arg2[%dma_wait3A_274, %dma_wait3A_275] : memref<100000x128xf32, #tpu.memory_space<hbm>> -> memref<100000x128xf32, #tpu.memory_space<hbm>>
        tpu.wait_indirect_dma semaphore(%arg14 : memref<!tpu.dma_semaphore, #tpu.memory_space<semaphore_mem>>) src(%dma_wait3A_276 : memref<100000x128xf32, #tpu.memory_space<hbm>>) dst(%dma_wait3A_271 : memref<80x128xf32, #tpu.memory_space<vmem>>)
        %mul3A_277 = arith.constant 80 : i32
        %mul3A_278 = arith.muli %add3A_262, %mul3A_277 : i32
        %add3A_279 = arith.addi %add3A, %mul3A_278 : i32
        %dma_start3A_280 = arith.constant 7 : i32
        %dma_start3A_281 = arith.constant 0 : i32
        %dma_start3A_282 = arith.constant 0 : i32
        %dma_start3A_283 = tpu.memref_slice %arg6[%dma_start3A_280, %dma_start3A_281, %dma_start3A_282] : memref<8x80x128xf32, #tpu.memory_space<vmem>> -> memref<1x80x128xf32, #tpu.memory_space<vmem>>
        %dma_start3A_284 = tpu.memref_squeeze %dma_start3A_283 : memref<1x80x128xf32, #tpu.memory_space<vmem>> -> memref<80x128xf32, #tpu.memory_space<vmem>>
        %dma_start3A_285 = arith.constant 0 : i32
        %dma_start3A_286 = tpu.memref_slice %arg4[%add3A_279, %dma_start3A_285] : memref<204800x128xf32, #tpu.memory_space<hbm>> -> memref<80x128xf32, #tpu.memory_space<hbm>>
        %dma_start3A_287 = arith.constant 0 : i32
        %dma_start3A_288 = tpu.memref_slice %arg4[%add3A_279, %dma_start3A_287] : memref<204800x128xf32, #tpu.memory_space<hbm>> -> memref<80x128xf32, #tpu.memory_space<hbm>>
        %dma_start3A_289 = arith.constant 0 : i32
        %dma_start3A_290 = arith.constant 0 : i32
        %dma_start3A_291 = tpu.memref_slice %arg6[%dma_start3A_280, %dma_start3A_289, %dma_start3A_290] : memref<8x80x128xf32, #tpu.memory_space<vmem>> -> memref<1x80x128xf32, #tpu.memory_space<vmem>>
        %dma_start3A_292 = tpu.memref_squeeze %dma_start3A_291 : memref<1x80x128xf32, #tpu.memory_space<vmem>> -> memref<80x128xf32, #tpu.memory_space<vmem>>
        tpu.enqueue_dma source(%dma_start3A_292 : memref<80x128xf32, #tpu.memory_space<vmem>>) target(%dma_start3A_288 : memref<80x128xf32, #tpu.memory_space<hbm>>) target_semaphore(%arg22 : memref<!tpu.dma_semaphore, #tpu.memory_space<semaphore_mem>>)
        %add3A_293 = arith.constant 7 : i32
        %add3A_294 = arith.addi %add3A_262, %add3A_293 : i32
        %ge3A = arith.constant 8 : i32
        %ge3A_295 = arith.cmpi sge, %add3A_294, %ge3A : i32
        %lt3A_296 = arith.cmpi slt, %add3A_294, %select_n3A : i32
        %and3A_297 = arith.andi %ge3A_295, %lt3A_296 : i1
        %convert_element_type3A_298 = arith.extui %and3A_297 : i1 to i32
        %cond3A_299 = arith.constant 0 : i32
        %cond3A_300 = arith.cmpi ne, %convert_element_type3A_298, %cond3A_299 : i32
        scf.if %cond3A_300 {
          %dma_wait3A_305 = arith.constant 6 : i32
          %dma_wait3A_306 = arith.constant 0 : i32
          %dma_wait3A_307 = arith.constant 0 : i32
          %dma_wait3A_308 = tpu.memref_slice %arg6[%dma_wait3A_305, %dma_wait3A_306, %dma_wait3A_307] : memref<8x80x128xf32, #tpu.memory_space<vmem>> -> memref<1x80x128xf32, #tpu.memory_space<vmem>>
          %dma_wait3A_309 = tpu.memref_squeeze %dma_wait3A_308 : memref<1x80x128xf32, #tpu.memory_space<vmem>> -> memref<80x128xf32, #tpu.memory_space<vmem>>
          %dma_wait3A_310 = arith.constant 0 : i32
          %dma_wait3A_311 = tpu.memref_slice %arg4[%add3A, %dma_wait3A_310] : memref<204800x128xf32, #tpu.memory_space<hbm>> -> memref<80x128xf32, #tpu.memory_space<hbm>>
          %dma_wait3A_312 = arith.constant 0 : i32
          %dma_wait3A_313 = tpu.memref_slice %arg4[%add3A, %dma_wait3A_312] : memref<204800x128xf32, #tpu.memory_space<hbm>> -> memref<80x128xf32, #tpu.memory_space<hbm>>
          %dma_wait3A_314 = arith.constant 0 : i32
          %dma_wait3A_315 = arith.constant 0 : i32
          %dma_wait3A_316 = tpu.memref_slice %arg6[%dma_wait3A_305, %dma_wait3A_314, %dma_wait3A_315] : memref<8x80x128xf32, #tpu.memory_space<vmem>> -> memref<1x80x128xf32, #tpu.memory_space<vmem>>
          %dma_wait3A_317 = tpu.memref_squeeze %dma_wait3A_316 : memref<1x80x128xf32, #tpu.memory_space<vmem>> -> memref<80x128xf32, #tpu.memory_space<vmem>>
          tpu.wait_dma2 semaphore(%arg21 : memref<!tpu.dma_semaphore, #tpu.memory_space<semaphore_mem>>) src(%dma_wait3A_317 : memref<80x128xf32, #tpu.memory_space<vmem>>) dst(%dma_wait3A_313 : memref<80x128xf32, #tpu.memory_space<hbm>>)
        } else {
        }
        %lt3A_301 = arith.cmpi slt, %add3A_294, %select_n3A : i32
        %convert_element_type3A_302 = arith.extui %lt3A_301 : i1 to i32
        %cond3A_303 = arith.constant 0 : i32
        %cond3A_304 = arith.cmpi ne, %convert_element_type3A_302, %cond3A_303 : i32
        scf.if %cond3A_304 {
          %mul3A_305 = arith.constant 80 : i32
          %mul3A_306 = arith.muli %add3A_294, %mul3A_305 : i32
          %dma_start3A_307 = arith.constant 6 : i32
          %dma_start3A_308 = arith.constant 0 : i32
          %dma_start3A_309 = arith.constant 0 : i32
          %dma_start3A_310 = tpu.memref_slice %arg6[%dma_start3A_307, %dma_start3A_308, %dma_start3A_309] : memref<8x80x128xf32, #tpu.memory_space<vmem>> -> memref<1x80x128xf32, #tpu.memory_space<vmem>>
          %dma_start3A_311 = tpu.memref_squeeze %dma_start3A_310 : memref<1x80x128xf32, #tpu.memory_space<vmem>> -> memref<80x128xf32, #tpu.memory_space<vmem>>
          %dma_start3A_312 = tpu.memref_slice %arg5[%mul3A_306] : memref<6560xi32, #tpu.memory_space<vmem>> -> memref<80xi32, #tpu.memory_space<vmem>>
          %dma_start3A_313 = arith.constant 0 : i32
          %dma_start3A_314 = arith.constant 0 : i32
          %dma_start3A_315 = tpu.memref_slice %arg2[%dma_start3A_313, %dma_start3A_314] : memref<100000x128xf32, #tpu.memory_space<hbm>> -> memref<100000x128xf32, #tpu.memory_space<hbm>>
          tpu.enqueue_indirect_dma source(%dma_start3A_315 : memref<100000x128xf32, #tpu.memory_space<hbm>>) target(%dma_start3A_311 : memref<80x128xf32, #tpu.memory_space<vmem>>) offsets(%dma_start3A_312 : memref<80xi32, #tpu.memory_space<vmem>>) semaphore(%arg13 : memref<!tpu.dma_semaphore, #tpu.memory_space<semaphore_mem>>)
        } else {
        }
      } else {
      }
    }
    %while3A_113 = arith.constant 1 : i32
    scf.for %while3A_217 = %while3A_111 to %while3A_107 step %while3A_113  : i32 {
      %mul3A_218 = arith.muli %while3A_217, %while3A : i32
      %add3A_219 = arith.addi %while3A_104, %mul3A_218 : i32
      %mul3A_220 = arith.constant 8 : i32
      %mul3A_221 = arith.muli %add3A_219, %mul3A_220 : i32
      %add3A_222 = arith.constant 0 : i32
      %add3A_223 = arith.addi %mul3A_221, %add3A_222 : i32
      %lt3A = arith.cmpi slt, %add3A_223, %select_n3A : i32
      %convert_element_type3A = arith.extui %lt3A : i1 to i32
      %cond3A = arith.constant 0 : i32
      %cond3A_224 = arith.cmpi ne, %convert_element_type3A, %cond3A : i32
      scf.if %cond3A_224 {
        %dma_wait3A_267 = arith.constant 0 : i32
        %dma_wait3A_268 = arith.constant 0 : i32
        %dma_wait3A_269 = arith.constant 0 : i32
        %dma_wait3A_270 = tpu.memref_slice %arg6[%dma_wait3A_267, %dma_wait3A_268, %dma_wait3A_269] : memref<8x80x128xf32, #tpu.memory_space<vmem>> -> memref<1x80x128xf32, #tpu.memory_space<vmem>>
        %dma_wait3A_271 = tpu.memref_squeeze %dma_wait3A_270 : memref<1x80x128xf32, #tpu.memory_space<vmem>> -> memref<80x128xf32, #tpu.memory_space<vmem>>
        %dma_wait3A_272 = arith.constant 0 : i32
        %dma_wait3A_273 = tpu.memref_slice %arg5[%dma_wait3A_272] : memref<6560xi32, #tpu.memory_space<vmem>> -> memref<80xi32, #tpu.memory_space<vmem>>
        %dma_wait3A_274 = arith.constant 0 : i32
        %dma_wait3A_275 = arith.constant 0 : i32
        %dma_wait3A_276 = tpu.memref_slice %arg2[%dma_wait3A_274, %dma_wait3A_275] : memref<100000x128xf32, #tpu.memory_space<hbm>> -> memref<100000x128xf32, #tpu.memory_space<hbm>>
        tpu.wait_indirect_dma semaphore(%arg7 : memref<!tpu.dma_semaphore, #tpu.memory_space<semaphore_mem>>) src(%dma_wait3A_276 : memref<100000x128xf32, #tpu.memory_space<hbm>>) dst(%dma_wait3A_271 : memref<80x128xf32, #tpu.memory_space<vmem>>)
        %mul3A_277 = arith.constant 80 : i32
        %mul3A_278 = arith.muli %add3A_223, %mul3A_277 : i32
        %add3A_279 = arith.addi %add3A, %mul3A_278 : i32
        %dma_start3A_280 = arith.constant 0 : i32
        %dma_start3A_281 = arith.constant 0 : i32
        %dma_start3A_282 = arith.constant 0 : i32
        %dma_start3A_283 = tpu.memref_slice %arg6[%dma_start3A_280, %dma_start3A_281, %dma_start3A_282] : memref<8x80x128xf32, #tpu.memory_space<vmem>> -> memref<1x80x128xf32, #tpu.memory_space<vmem>>
        %dma_start3A_284 = tpu.memref_squeeze %dma_start3A_283 : memref<1x80x128xf32, #tpu.memory_space<vmem>> -> memref<80x128xf32, #tpu.memory_space<vmem>>
        %dma_start3A_285 = arith.constant 0 : i32
        %dma_start3A_286 = tpu.memref_slice %arg4[%add3A_279, %dma_start3A_285] : memref<204800x128xf32, #tpu.memory_space<hbm>> -> memref<80x128xf32, #tpu.memory_space<hbm>>
        %dma_start3A_287 = arith.constant 0 : i32
        %dma_start3A_288 = tpu.memref_slice %arg4[%add3A_279, %dma_start3A_287] : memref<204800x128xf32, #tpu.memory_space<hbm>> -> memref<80x128xf32, #tpu.memory_space<hbm>>
        %dma_start3A_289 = arith.constant 0 : i32
        %dma_start3A_290 = arith.constant 0 : i32
        %dma_start3A_291 = tpu.memref_slice %arg6[%dma_start3A_280, %dma_start3A_289, %dma_start3A_290] : memref<8x80x128xf32, #tpu.memory_space<vmem>> -> memref<1x80x128xf32, #tpu.memory_space<vmem>>
        %dma_start3A_292 = tpu.memref_squeeze %dma_start3A_291 : memref<1x80x128xf32, #tpu.memory_space<vmem>> -> memref<80x128xf32, #tpu.memory_space<vmem>>
        tpu.enqueue_dma source(%dma_start3A_292 : memref<80x128xf32, #tpu.memory_space<vmem>>) target(%dma_start3A_288 : memref<80x128xf32, #tpu.memory_space<hbm>>) target_semaphore(%arg15 : memref<!tpu.dma_semaphore, #tpu.memory_space<semaphore_mem>>)
        %add3A_293 = arith.constant 7 : i32
        %add3A_294 = arith.addi %add3A_223, %add3A_293 : i32
        %ge3A = arith.constant 8 : i32
        %ge3A_295 = arith.cmpi sge, %add3A_294, %ge3A : i32
        %lt3A_296 = arith.cmpi slt, %add3A_294, %select_n3A : i32
        %and3A_297 = arith.andi %ge3A_295, %lt3A_296 : i1
        %convert_element_type3A_298 = arith.extui %and3A_297 : i1 to i32
        %cond3A_299 = arith.constant 0 : i32
        %cond3A_300 = arith.cmpi ne, %convert_element_type3A_298, %cond3A_299 : i32
        scf.if %cond3A_300 {
          %dma_wait3A_305 = arith.constant 7 : i32
          %dma_wait3A_306 = arith.constant 0 : i32
          %dma_wait3A_307 = arith.constant 0 : i32
          %dma_wait3A_308 = tpu.memref_slice %arg6[%dma_wait3A_305, %dma_wait3A_306, %dma_wait3A_307] : memref<8x80x128xf32, #tpu.memory_space<vmem>> -> memref<1x80x128xf32, #tpu.memory_space<vmem>>
          %dma_wait3A_309 = tpu.memref_squeeze %dma_wait3A_308 : memref<1x80x128xf32, #tpu.memory_space<vmem>> -> memref<80x128xf32, #tpu.memory_space<vmem>>
          %dma_wait3A_310 = arith.constant 0 : i32
          %dma_wait3A_311 = tpu.memref_slice %arg4[%add3A, %dma_wait3A_310] : memref<204800x128xf32, #tpu.memory_space<hbm>> -> memref<80x128xf32, #tpu.memory_space<hbm>>
          %dma_wait3A_312 = arith.constant 0 : i32
          %dma_wait3A_313 = tpu.memref_slice %arg4[%add3A, %dma_wait3A_312] : memref<204800x128xf32, #tpu.memory_space<hbm>> -> memref<80x128xf32, #tpu.memory_space<hbm>>
          %dma_wait3A_314 = arith.constant 0 : i32
          %dma_wait3A_315 = arith.constant 0 : i32
          %dma_wait3A_316 = tpu.memref_slice %arg6[%dma_wait3A_305, %dma_wait3A_314, %dma_wait3A_315] : memref<8x80x128xf32, #tpu.memory_space<vmem>> -> memref<1x80x128xf32, #tpu.memory_space<vmem>>
          %dma_wait3A_317 = tpu.memref_squeeze %dma_wait3A_316 : memref<1x80x128xf32, #tpu.memory_space<vmem>> -> memref<80x128xf32, #tpu.memory_space<vmem>>
          tpu.wait_dma2 semaphore(%arg22 : memref<!tpu.dma_semaphore, #tpu.memory_space<semaphore_mem>>) src(%dma_wait3A_317 : memref<80x128xf32, #tpu.memory_space<vmem>>) dst(%dma_wait3A_313 : memref<80x128xf32, #tpu.memory_space<hbm>>)
        } else {
        }
        %lt3A_301 = arith.cmpi slt, %add3A_294, %select_n3A : i32
        %convert_element_type3A_302 = arith.extui %lt3A_301 : i1 to i32
        %cond3A_303 = arith.constant 0 : i32
        %cond3A_304 = arith.cmpi ne, %convert_element_type3A_302, %cond3A_303 : i32
        scf.if %cond3A_304 {
          %mul3A_305 = arith.constant 80 : i32
          %mul3A_306 = arith.muli %add3A_294, %mul3A_305 : i32
          %dma_start3A_307 = arith.constant 7 : i32
          %dma_start3A_308 = arith.constant 0 : i32
          %dma_start3A_309 = arith.constant 0 : i32
          %dma_start3A_310 = tpu.memref_slice %arg6[%dma_start3A_307, %dma_start3A_308, %dma_start3A_309] : memref<8x80x128xf32, #tpu.memory_space<vmem>> -> memref<1x80x128xf32, #tpu.memory_space<vmem>>
          %dma_start3A_311 = tpu.memref_squeeze %dma_start3A_310 : memref<1x80x128xf32, #tpu.memory_space<vmem>> -> memref<80x128xf32, #tpu.memory_space<vmem>>
          %dma_start3A_312 = tpu.memref_slice %arg5[%mul3A_306] : memref<6560xi32, #tpu.memory_space<vmem>> -> memref<80xi32, #tpu.memory_space<vmem>>
          %dma_start3A_313 = arith.constant 0 : i32
          %dma_start3A_314 = arith.constant 0 : i32
          %dma_start3A_315 = tpu.memref_slice %arg2[%dma_start3A_313, %dma_start3A_314] : memref<100000x128xf32, #tpu.memory_space<hbm>> -> memref<100000x128xf32, #tpu.memory_space<hbm>>
          tpu.enqueue_indirect_dma source(%dma_start3A_315 : memref<100000x128xf32, #tpu.memory_space<hbm>>) target(%dma_start3A_311 : memref<80x128xf32, #tpu.memory_space<vmem>>) offsets(%dma_start3A_312 : memref<80xi32, #tpu.memory_space<vmem>>) semaphore(%arg14 : memref<!tpu.dma_semaphore, #tpu.memory_space<semaphore_mem>>)
        } else {
        }
      } else {
      }
      %add3A_225 = arith.constant 1 : i32
      %add3A_226 = arith.addi %mul3A_221, %add3A_225 : i32
      %lt3A_227 = arith.cmpi slt, %add3A_226, %select_n3A : i32
      %convert_element_type3A_228 = arith.extui %lt3A_227 : i1 to i32
      %cond3A_229 = arith.constant 0 : i32
      %cond3A_230 = arith.cmpi ne, %convert_element_type3A_228, %cond3A_229 : i32
      scf.if %cond3A_230 {
        %dma_wait3A_267 = arith.constant 1 : i32
        %dma_wait3A_268 = arith.constant 0 : i32
        %dma_wait3A_269 = arith.constant 0 : i32
        %dma_wait3A_270 = tpu.memref_slice %arg6[%dma_wait3A_267, %dma_wait3A_268, %dma_wait3A_269] : memref<8x80x128xf32, #tpu.memory_space<vmem>> -> memref<1x80x128xf32, #tpu.memory_space<vmem>>
        %dma_wait3A_271 = tpu.memref_squeeze %dma_wait3A_270 : memref<1x80x128xf32, #tpu.memory_space<vmem>> -> memref<80x128xf32, #tpu.memory_space<vmem>>
        %dma_wait3A_272 = arith.constant 0 : i32
        %dma_wait3A_273 = tpu.memref_slice %arg5[%dma_wait3A_272] : memref<6560xi32, #tpu.memory_space<vmem>> -> memref<80xi32, #tpu.memory_space<vmem>>
        %dma_wait3A_274 = arith.constant 0 : i32
        %dma_wait3A_275 = arith.constant 0 : i32
        %dma_wait3A_276 = tpu.memref_slice %arg2[%dma_wait3A_274, %dma_wait3A_275] : memref<100000x128xf32, #tpu.memory_space<hbm>> -> memref<100000x128xf32, #tpu.memory_space<hbm>>
        tpu.wait_indirect_dma semaphore(%arg8 : memref<!tpu.dma_semaphore, #tpu.memory_space<semaphore_mem>>) src(%dma_wait3A_276 : memref<100000x128xf32, #tpu.memory_space<hbm>>) dst(%dma_wait3A_271 : memref<80x128xf32, #tpu.memory_space<vmem>>)
        %mul3A_277 = arith.constant 80 : i32
        %mul3A_278 = arith.muli %add3A_226, %mul3A_277 : i32
        %add3A_279 = arith.addi %add3A, %mul3A_278 : i32
        %dma_start3A_280 = arith.constant 1 : i32
        %dma_start3A_281 = arith.constant 0 : i32
        %dma_start3A_282 = arith.constant 0 : i32
        %dma_start3A_283 = tpu.memref_slice %arg6[%dma_start3A_280, %dma_start3A_281, %dma_start3A_282] : memref<8x80x128xf32, #tpu.memory_space<vmem>> -> memref<1x80x128xf32, #tpu.memory_space<vmem>>
        %dma_start3A_284 = tpu.memref_squeeze %dma_start3A_283 : memref<1x80x128xf32, #tpu.memory_space<vmem>> -> memref<80x128xf32, #tpu.memory_space<vmem>>
        %dma_start3A_285 = arith.constant 0 : i32
        %dma_start3A_286 = tpu.memref_slice %arg4[%add3A_279, %dma_start3A_285] : memref<204800x128xf32, #tpu.memory_space<hbm>> -> memref<80x128xf32, #tpu.memory_space<hbm>>
        %dma_start3A_287 = arith.constant 0 : i32
        %dma_start3A_288 = tpu.memref_slice %arg4[%add3A_279, %dma_start3A_287] : memref<204800x128xf32, #tpu.memory_space<hbm>> -> memref<80x128xf32, #tpu.memory_space<hbm>>
        %dma_start3A_289 = arith.constant 0 : i32
        %dma_start3A_290 = arith.constant 0 : i32
        %dma_start3A_291 = tpu.memref_slice %arg6[%dma_start3A_280, %dma_start3A_289, %dma_start3A_290] : memref<8x80x128xf32, #tpu.memory_space<vmem>> -> memref<1x80x128xf32, #tpu.memory_space<vmem>>
        %dma_start3A_292 = tpu.memref_squeeze %dma_start3A_291 : memref<1x80x128xf32, #tpu.memory_space<vmem>> -> memref<80x128xf32, #tpu.memory_space<vmem>>
        tpu.enqueue_dma source(%dma_start3A_292 : memref<80x128xf32, #tpu.memory_space<vmem>>) target(%dma_start3A_288 : memref<80x128xf32, #tpu.memory_space<hbm>>) target_semaphore(%arg16 : memref<!tpu.dma_semaphore, #tpu.memory_space<semaphore_mem>>)
        %add3A_293 = arith.constant 7 : i32
        %add3A_294 = arith.addi %add3A_226, %add3A_293 : i32
        %ge3A = arith.constant 8 : i32
        %ge3A_295 = arith.cmpi sge, %add3A_294, %ge3A : i32
        %lt3A_296 = arith.cmpi slt, %add3A_294, %select_n3A : i32
        %and3A_297 = arith.andi %ge3A_295, %lt3A_296 : i1
        %convert_element_type3A_298 = arith.extui %and3A_297 : i1 to i32
        %cond3A_299 = arith.constant 0 : i32
        %cond3A_300 = arith.cmpi ne, %convert_element_type3A_298, %cond3A_299 : i32
        scf.if %cond3A_300 {
          %dma_wait3A_305 = arith.constant 0 : i32
          %dma_wait3A_306 = arith.constant 0 : i32
          %dma_wait3A_307 = arith.constant 0 : i32
          %dma_wait3A_308 = tpu.memref_slice %arg6[%dma_wait3A_305, %dma_wait3A_306, %dma_wait3A_307] : memref<8x80x128xf32, #tpu.memory_space<vmem>> -> memref<1x80x128xf32, #tpu.memory_space<vmem>>
          %dma_wait3A_309 = tpu.memref_squeeze %dma_wait3A_308 : memref<1x80x128xf32, #tpu.memory_space<vmem>> -> memref<80x128xf32, #tpu.memory_space<vmem>>
          %dma_wait3A_310 = arith.constant 0 : i32
          %dma_wait3A_311 = tpu.memref_slice %arg4[%add3A, %dma_wait3A_310] : memref<204800x128xf32, #tpu.memory_space<hbm>> -> memref<80x128xf32, #tpu.memory_space<hbm>>
          %dma_wait3A_312 = arith.constant 0 : i32
          %dma_wait3A_313 = tpu.memref_slice %arg4[%add3A, %dma_wait3A_312] : memref<204800x128xf32, #tpu.memory_space<hbm>> -> memref<80x128xf32, #tpu.memory_space<hbm>>
          %dma_wait3A_314 = arith.constant 0 : i32
          %dma_wait3A_315 = arith.constant 0 : i32
          %dma_wait3A_316 = tpu.memref_slice %arg6[%dma_wait3A_305, %dma_wait3A_314, %dma_wait3A_315] : memref<8x80x128xf32, #tpu.memory_space<vmem>> -> memref<1x80x128xf32, #tpu.memory_space<vmem>>
          %dma_wait3A_317 = tpu.memref_squeeze %dma_wait3A_316 : memref<1x80x128xf32, #tpu.memory_space<vmem>> -> memref<80x128xf32, #tpu.memory_space<vmem>>
          tpu.wait_dma2 semaphore(%arg15 : memref<!tpu.dma_semaphore, #tpu.memory_space<semaphore_mem>>) src(%dma_wait3A_317 : memref<80x128xf32, #tpu.memory_space<vmem>>) dst(%dma_wait3A_313 : memref<80x128xf32, #tpu.memory_space<hbm>>)
        } else {
        }
        %lt3A_301 = arith.cmpi slt, %add3A_294, %select_n3A : i32
        %convert_element_type3A_302 = arith.extui %lt3A_301 : i1 to i32
        %cond3A_303 = arith.constant 0 : i32
        %cond3A_304 = arith.cmpi ne, %convert_element_type3A_302, %cond3A_303 : i32
        scf.if %cond3A_304 {
          %mul3A_305 = arith.constant 80 : i32
          %mul3A_306 = arith.muli %add3A_294, %mul3A_305 : i32
          %dma_start3A_307 = arith.constant 0 : i32
          %dma_start3A_308 = arith.constant 0 : i32
          %dma_start3A_309 = arith.constant 0 : i32
          %dma_start3A_310 = tpu.memref_slice %arg6[%dma_start3A_307, %dma_start3A_308, %dma_start3A_309] : memref<8x80x128xf32, #tpu.memory_space<vmem>> -> memref<1x80x128xf32, #tpu.memory_space<vmem>>
          %dma_start3A_311 = tpu.memref_squeeze %dma_start3A_310 : memref<1x80x128xf32, #tpu.memory_space<vmem>> -> memref<80x128xf32, #tpu.memory_space<vmem>>
          %dma_start3A_312 = tpu.memref_slice %arg5[%mul3A_306] : memref<6560xi32, #tpu.memory_space<vmem>> -> memref<80xi32, #tpu.memory_space<vmem>>
          %dma_start3A_313 = arith.constant 0 : i32
          %dma_start3A_314 = arith.constant 0 : i32
          %dma_start3A_315 = tpu.memref_slice %arg2[%dma_start3A_313, %dma_start3A_314] : memref<100000x128xf32, #tpu.memory_space<hbm>> -> memref<100000x128xf32, #tpu.memory_space<hbm>>
          tpu.enqueue_indirect_dma source(%dma_start3A_315 : memref<100000x128xf32, #tpu.memory_space<hbm>>) target(%dma_start3A_311 : memref<80x128xf32, #tpu.memory_space<vmem>>) offsets(%dma_start3A_312 : memref<80xi32, #tpu.memory_space<vmem>>) semaphore(%arg7 : memref<!tpu.dma_semaphore, #tpu.memory_space<semaphore_mem>>)
        } else {
        }
      } else {
      }
      %add3A_231 = arith.constant 2 : i32
      %add3A_232 = arith.addi %mul3A_221, %add3A_231 : i32
      %lt3A_233 = arith.cmpi slt, %add3A_232, %select_n3A : i32
      %convert_element_type3A_234 = arith.extui %lt3A_233 : i1 to i32
      %cond3A_235 = arith.constant 0 : i32
      %cond3A_236 = arith.cmpi ne, %convert_element_type3A_234, %cond3A_235 : i32
      scf.if %cond3A_236 {
        %dma_wait3A_267 = arith.constant 2 : i32
        %dma_wait3A_268 = arith.constant 0 : i32
        %dma_wait3A_269 = arith.constant 0 : i32
        %dma_wait3A_270 = tpu.memref_slice %arg6[%dma_wait3A_267, %dma_wait3A_268, %dma_wait3A_269] : memref<8x80x128xf32, #tpu.memory_space<vmem>> -> memref<1x80x128xf32, #tpu.memory_space<vmem>>
        %dma_wait3A_271 = tpu.memref_squeeze %dma_wait3A_270 : memref<1x80x128xf32, #tpu.memory_space<vmem>> -> memref<80x128xf32, #tpu.memory_space<vmem>>
        %dma_wait3A_272 = arith.constant 0 : i32
        %dma_wait3A_273 = tpu.memref_slice %arg5[%dma_wait3A_272] : memref<6560xi32, #tpu.memory_space<vmem>> -> memref<80xi32, #tpu.memory_space<vmem>>
        %dma_wait3A_274 = arith.constant 0 : i32
        %dma_wait3A_275 = arith.constant 0 : i32
        %dma_wait3A_276 = tpu.memref_slice %arg2[%dma_wait3A_274, %dma_wait3A_275] : memref<100000x128xf32, #tpu.memory_space<hbm>> -> memref<100000x128xf32, #tpu.memory_space<hbm>>
        tpu.wait_indirect_dma semaphore(%arg9 : memref<!tpu.dma_semaphore, #tpu.memory_space<semaphore_mem>>) src(%dma_wait3A_276 : memref<100000x128xf32, #tpu.memory_space<hbm>>) dst(%dma_wait3A_271 : memref<80x128xf32, #tpu.memory_space<vmem>>)
        %mul3A_277 = arith.constant 80 : i32
        %mul3A_278 = arith.muli %add3A_232, %mul3A_277 : i32
        %add3A_279 = arith.addi %add3A, %mul3A_278 : i32
        %dma_start3A_280 = arith.constant 2 : i32
        %dma_start3A_281 = arith.constant 0 : i32
        %dma_start3A_282 = arith.constant 0 : i32
        %dma_start3A_283 = tpu.memref_slice %arg6[%dma_start3A_280, %dma_start3A_281, %dma_start3A_282] : memref<8x80x128xf32, #tpu.memory_space<vmem>> -> memref<1x80x128xf32, #tpu.memory_space<vmem>>
        %dma_start3A_284 = tpu.memref_squeeze %dma_start3A_283 : memref<1x80x128xf32, #tpu.memory_space<vmem>> -> memref<80x128xf32, #tpu.memory_space<vmem>>
        %dma_start3A_285 = arith.constant 0 : i32
        %dma_start3A_286 = tpu.memref_slice %arg4[%add3A_279, %dma_start3A_285] : memref<204800x128xf32, #tpu.memory_space<hbm>> -> memref<80x128xf32, #tpu.memory_space<hbm>>
        %dma_start3A_287 = arith.constant 0 : i32
        %dma_start3A_288 = tpu.memref_slice %arg4[%add3A_279, %dma_start3A_287] : memref<204800x128xf32, #tpu.memory_space<hbm>> -> memref<80x128xf32, #tpu.memory_space<hbm>>
        %dma_start3A_289 = arith.constant 0 : i32
        %dma_start3A_290 = arith.constant 0 : i32
        %dma_start3A_291 = tpu.memref_slice %arg6[%dma_start3A_280, %dma_start3A_289, %dma_start3A_290] : memref<8x80x128xf32, #tpu.memory_space<vmem>> -> memref<1x80x128xf32, #tpu.memory_space<vmem>>
        %dma_start3A_292 = tpu.memref_squeeze %dma_start3A_291 : memref<1x80x128xf32, #tpu.memory_space<vmem>> -> memref<80x128xf32, #tpu.memory_space<vmem>>
        tpu.enqueue_dma source(%dma_start3A_292 : memref<80x128xf32, #tpu.memory_space<vmem>>) target(%dma_start3A_288 : memref<80x128xf32, #tpu.memory_space<hbm>>) target_semaphore(%arg17 : memref<!tpu.dma_semaphore, #tpu.memory_space<semaphore_mem>>)
        %add3A_293 = arith.constant 7 : i32
        %add3A_294 = arith.addi %add3A_232, %add3A_293 : i32
        %ge3A = arith.constant 8 : i32
        %ge3A_295 = arith.cmpi sge, %add3A_294, %ge3A : i32
        %lt3A_296 = arith.cmpi slt, %add3A_294, %select_n3A : i32
        %and3A_297 = arith.andi %ge3A_295, %lt3A_296 : i1
        %convert_element_type3A_298 = arith.extui %and3A_297 : i1 to i32
        %cond3A_299 = arith.constant 0 : i32
        %cond3A_300 = arith.cmpi ne, %convert_element_type3A_298, %cond3A_299 : i32
        scf.if %cond3A_300 {
          %dma_wait3A_305 = arith.constant 1 : i32
          %dma_wait3A_306 = arith.constant 0 : i32
          %dma_wait3A_307 = arith.constant 0 : i32
          %dma_wait3A_308 = tpu.memref_slice %arg6[%dma_wait3A_305, %dma_wait3A_306, %dma_wait3A_307] : memref<8x80x128xf32, #tpu.memory_space<vmem>> -> memref<1x80x128xf32, #tpu.memory_space<vmem>>
          %dma_wait3A_309 = tpu.memref_squeeze %dma_wait3A_308 : memref<1x80x128xf32, #tpu.memory_space<vmem>> -> memref<80x128xf32, #tpu.memory_space<vmem>>
          %dma_wait3A_310 = arith.constant 0 : i32
          %dma_wait3A_311 = tpu.memref_slice %arg4[%add3A, %dma_wait3A_310] : memref<204800x128xf32, #tpu.memory_space<hbm>> -> memref<80x128xf32, #tpu.memory_space<hbm>>
          %dma_wait3A_312 = arith.constant 0 : i32
          %dma_wait3A_313 = tpu.memref_slice %arg4[%add3A, %dma_wait3A_312] : memref<204800x128xf32, #tpu.memory_space<hbm>> -> memref<80x128xf32, #tpu.memory_space<hbm>>
          %dma_wait3A_314 = arith.constant 0 : i32
          %dma_wait3A_315 = arith.constant 0 : i32
          %dma_wait3A_316 = tpu.memref_slice %arg6[%dma_wait3A_305, %dma_wait3A_314, %dma_wait3A_315] : memref<8x80x128xf32, #tpu.memory_space<vmem>> -> memref<1x80x128xf32, #tpu.memory_space<vmem>>
          %dma_wait3A_317 = tpu.memref_squeeze %dma_wait3A_316 : memref<1x80x128xf32, #tpu.memory_space<vmem>> -> memref<80x128xf32, #tpu.memory_space<vmem>>
          tpu.wait_dma2 semaphore(%arg16 : memref<!tpu.dma_semaphore, #tpu.memory_space<semaphore_mem>>) src(%dma_wait3A_317 : memref<80x128xf32, #tpu.memory_space<vmem>>) dst(%dma_wait3A_313 : memref<80x128xf32, #tpu.memory_space<hbm>>)
        } else {
        }
        %lt3A_301 = arith.cmpi slt, %add3A_294, %select_n3A : i32
        %convert_element_type3A_302 = arith.extui %lt3A_301 : i1 to i32
        %cond3A_303 = arith.constant 0 : i32
        %cond3A_304 = arith.cmpi ne, %convert_element_type3A_302, %cond3A_303 : i32
        scf.if %cond3A_304 {
          %mul3A_305 = arith.constant 80 : i32
          %mul3A_306 = arith.muli %add3A_294, %mul3A_305 : i32
          %dma_start3A_307 = arith.constant 1 : i32
          %dma_start3A_308 = arith.constant 0 : i32
          %dma_start3A_309 = arith.constant 0 : i32
          %dma_start3A_310 = tpu.memref_slice %arg6[%dma_start3A_307, %dma_start3A_308, %dma_start3A_309] : memref<8x80x128xf32, #tpu.memory_space<vmem>> -> memref<1x80x128xf32, #tpu.memory_space<vmem>>
          %dma_start3A_311 = tpu.memref_squeeze %dma_start3A_310 : memref<1x80x128xf32, #tpu.memory_space<vmem>> -> memref<80x128xf32, #tpu.memory_space<vmem>>
          %dma_start3A_312 = tpu.memref_slice %arg5[%mul3A_306] : memref<6560xi32, #tpu.memory_space<vmem>> -> memref<80xi32, #tpu.memory_space<vmem>>
          %dma_start3A_313 = arith.constant 0 : i32
          %dma_start3A_314 = arith.constant 0 : i32
          %dma_start3A_315 = tpu.memref_slice %arg2[%dma_start3A_313, %dma_start3A_314] : memref<100000x128xf32, #tpu.memory_space<hbm>> -> memref<100000x128xf32, #tpu.memory_space<hbm>>
          tpu.enqueue_indirect_dma source(%dma_start3A_315 : memref<100000x128xf32, #tpu.memory_space<hbm>>) target(%dma_start3A_311 : memref<80x128xf32, #tpu.memory_space<vmem>>) offsets(%dma_start3A_312 : memref<80xi32, #tpu.memory_space<vmem>>) semaphore(%arg8 : memref<!tpu.dma_semaphore, #tpu.memory_space<semaphore_mem>>)
        } else {
        }
      } else {
      }
      %add3A_237 = arith.constant 3 : i32
      %add3A_238 = arith.addi %mul3A_221, %add3A_237 : i32
      %lt3A_239 = arith.cmpi slt, %add3A_238, %select_n3A : i32
      %convert_element_type3A_240 = arith.extui %lt3A_239 : i1 to i32
      %cond3A_241 = arith.constant 0 : i32
      %cond3A_242 = arith.cmpi ne, %convert_element_type3A_240, %cond3A_241 : i32
      scf.if %cond3A_242 {
        %dma_wait3A_267 = arith.constant 3 : i32
        %dma_wait3A_268 = arith.constant 0 : i32
        %dma_wait3A_269 = arith.constant 0 : i32
        %dma_wait3A_270 = tpu.memref_slice %arg6[%dma_wait3A_267, %dma_wait3A_268, %dma_wait3A_269] : memref<8x80x128xf32, #tpu.memory_space<vmem>> -> memref<1x80x128xf32, #tpu.memory_space<vmem>>
        %dma_wait3A_271 = tpu.memref_squeeze %dma_wait3A_270 : memref<1x80x128xf32, #tpu.memory_space<vmem>> -> memref<80x128xf32, #tpu.memory_space<vmem>>
        %dma_wait3A_272 = arith.constant 0 : i32
        %dma_wait3A_273 = tpu.memref_slice %arg5[%dma_wait3A_272] : memref<6560xi32, #tpu.memory_space<vmem>> -> memref<80xi32, #tpu.memory_space<vmem>>
        %dma_wait3A_274 = arith.constant 0 : i32
        %dma_wait3A_275 = arith.constant 0 : i32
        %dma_wait3A_276 = tpu.memref_slice %arg2[%dma_wait3A_274, %dma_wait3A_275] : memref<100000x128xf32, #tpu.memory_space<hbm>> -> memref<100000x128xf32, #tpu.memory_space<hbm>>
        tpu.wait_indirect_dma semaphore(%arg10 : memref<!tpu.dma_semaphore, #tpu.memory_space<semaphore_mem>>) src(%dma_wait3A_276 : memref<100000x128xf32, #tpu.memory_space<hbm>>) dst(%dma_wait3A_271 : memref<80x128xf32, #tpu.memory_space<vmem>>)
        %mul3A_277 = arith.constant 80 : i32
        %mul3A_278 = arith.muli %add3A_238, %mul3A_277 : i32
        %add3A_279 = arith.addi %add3A, %mul3A_278 : i32
        %dma_start3A_280 = arith.constant 3 : i32
        %dma_start3A_281 = arith.constant 0 : i32
        %dma_start3A_282 = arith.constant 0 : i32
        %dma_start3A_283 = tpu.memref_slice %arg6[%dma_start3A_280, %dma_start3A_281, %dma_start3A_282] : memref<8x80x128xf32, #tpu.memory_space<vmem>> -> memref<1x80x128xf32, #tpu.memory_space<vmem>>
        %dma_start3A_284 = tpu.memref_squeeze %dma_start3A_283 : memref<1x80x128xf32, #tpu.memory_space<vmem>> -> memref<80x128xf32, #tpu.memory_space<vmem>>
        %dma_start3A_285 = arith.constant 0 : i32
        %dma_start3A_286 = tpu.memref_slice %arg4[%add3A_279, %dma_start3A_285] : memref<204800x128xf32, #tpu.memory_space<hbm>> -> memref<80x128xf32, #tpu.memory_space<hbm>>
        %dma_start3A_287 = arith.constant 0 : i32
        %dma_start3A_288 = tpu.memref_slice %arg4[%add3A_279, %dma_start3A_287] : memref<204800x128xf32, #tpu.memory_space<hbm>> -> memref<80x128xf32, #tpu.memory_space<hbm>>
        %dma_start3A_289 = arith.constant 0 : i32
        %dma_start3A_290 = arith.constant 0 : i32
        %dma_start3A_291 = tpu.memref_slice %arg6[%dma_start3A_280, %dma_start3A_289, %dma_start3A_290] : memref<8x80x128xf32, #tpu.memory_space<vmem>> -> memref<1x80x128xf32, #tpu.memory_space<vmem>>
        %dma_start3A_292 = tpu.memref_squeeze %dma_start3A_291 : memref<1x80x128xf32, #tpu.memory_space<vmem>> -> memref<80x128xf32, #tpu.memory_space<vmem>>
        tpu.enqueue_dma source(%dma_start3A_292 : memref<80x128xf32, #tpu.memory_space<vmem>>) target(%dma_start3A_288 : memref<80x128xf32, #tpu.memory_space<hbm>>) target_semaphore(%arg18 : memref<!tpu.dma_semaphore, #tpu.memory_space<semaphore_mem>>)
        %add3A_293 = arith.constant 7 : i32
        %add3A_294 = arith.addi %add3A_238, %add3A_293 : i32
        %ge3A = arith.constant 8 : i32
        %ge3A_295 = arith.cmpi sge, %add3A_294, %ge3A : i32
        %lt3A_296 = arith.cmpi slt, %add3A_294, %select_n3A : i32
        %and3A_297 = arith.andi %ge3A_295, %lt3A_296 : i1
        %convert_element_type3A_298 = arith.extui %and3A_297 : i1 to i32
        %cond3A_299 = arith.constant 0 : i32
        %cond3A_300 = arith.cmpi ne, %convert_element_type3A_298, %cond3A_299 : i32
        scf.if %cond3A_300 {
          %dma_wait3A_305 = arith.constant 2 : i32
          %dma_wait3A_306 = arith.constant 0 : i32
          %dma_wait3A_307 = arith.constant 0 : i32
          %dma_wait3A_308 = tpu.memref_slice %arg6[%dma_wait3A_305, %dma_wait3A_306, %dma_wait3A_307] : memref<8x80x128xf32, #tpu.memory_space<vmem>> -> memref<1x80x128xf32, #tpu.memory_space<vmem>>
          %dma_wait3A_309 = tpu.memref_squeeze %dma_wait3A_308 : memref<1x80x128xf32, #tpu.memory_space<vmem>> -> memref<80x128xf32, #tpu.memory_space<vmem>>
          %dma_wait3A_310 = arith.constant 0 : i32
          %dma_wait3A_311 = tpu.memref_slice %arg4[%add3A, %dma_wait3A_310] : memref<204800x128xf32, #tpu.memory_space<hbm>> -> memref<80x128xf32, #tpu.memory_space<hbm>>
          %dma_wait3A_312 = arith.constant 0 : i32
          %dma_wait3A_313 = tpu.memref_slice %arg4[%add3A, %dma_wait3A_312] : memref<204800x128xf32, #tpu.memory_space<hbm>> -> memref<80x128xf32, #tpu.memory_space<hbm>>
          %dma_wait3A_314 = arith.constant 0 : i32
          %dma_wait3A_315 = arith.constant 0 : i32
          %dma_wait3A_316 = tpu.memref_slice %arg6[%dma_wait3A_305, %dma_wait3A_314, %dma_wait3A_315] : memref<8x80x128xf32, #tpu.memory_space<vmem>> -> memref<1x80x128xf32, #tpu.memory_space<vmem>>
          %dma_wait3A_317 = tpu.memref_squeeze %dma_wait3A_316 : memref<1x80x128xf32, #tpu.memory_space<vmem>> -> memref<80x128xf32, #tpu.memory_space<vmem>>
          tpu.wait_dma2 semaphore(%arg17 : memref<!tpu.dma_semaphore, #tpu.memory_space<semaphore_mem>>) src(%dma_wait3A_317 : memref<80x128xf32, #tpu.memory_space<vmem>>) dst(%dma_wait3A_313 : memref<80x128xf32, #tpu.memory_space<hbm>>)
        } else {
        }
        %lt3A_301 = arith.cmpi slt, %add3A_294, %select_n3A : i32
        %convert_element_type3A_302 = arith.extui %lt3A_301 : i1 to i32
        %cond3A_303 = arith.constant 0 : i32
        %cond3A_304 = arith.cmpi ne, %convert_element_type3A_302, %cond3A_303 : i32
        scf.if %cond3A_304 {
          %mul3A_305 = arith.constant 80 : i32
          %mul3A_306 = arith.muli %add3A_294, %mul3A_305 : i32
          %dma_start3A_307 = arith.constant 2 : i32
          %dma_start3A_308 = arith.constant 0 : i32
          %dma_start3A_309 = arith.constant 0 : i32
          %dma_start3A_310 = tpu.memref_slice %arg6[%dma_start3A_307, %dma_start3A_308, %dma_start3A_309] : memref<8x80x128xf32, #tpu.memory_space<vmem>> -> memref<1x80x128xf32, #tpu.memory_space<vmem>>
          %dma_start3A_311 = tpu.memref_squeeze %dma_start3A_310 : memref<1x80x128xf32, #tpu.memory_space<vmem>> -> memref<80x128xf32, #tpu.memory_space<vmem>>
          %dma_start3A_312 = tpu.memref_slice %arg5[%mul3A_306] : memref<6560xi32, #tpu.memory_space<vmem>> -> memref<80xi32, #tpu.memory_space<vmem>>
          %dma_start3A_313 = arith.constant 0 : i32
          %dma_start3A_314 = arith.constant 0 : i32
          %dma_start3A_315 = tpu.memref_slice %arg2[%dma_start3A_313, %dma_start3A_314] : memref<100000x128xf32, #tpu.memory_space<hbm>> -> memref<100000x128xf32, #tpu.memory_space<hbm>>
          tpu.enqueue_indirect_dma source(%dma_start3A_315 : memref<100000x128xf32, #tpu.memory_space<hbm>>) target(%dma_start3A_311 : memref<80x128xf32, #tpu.memory_space<vmem>>) offsets(%dma_start3A_312 : memref<80xi32, #tpu.memory_space<vmem>>) semaphore(%arg9 : memref<!tpu.dma_semaphore, #tpu.memory_space<semaphore_mem>>)
        } else {
        }
      } else {
      }
      %add3A_243 = arith.constant 4 : i32
      %add3A_244 = arith.addi %mul3A_221, %add3A_243 : i32
      %lt3A_245 = arith.cmpi slt, %add3A_244, %select_n3A : i32
      %convert_element_type3A_246 = arith.extui %lt3A_245 : i1 to i32
      %cond3A_247 = arith.constant 0 : i32
      %cond3A_248 = arith.cmpi ne, %convert_element_type3A_246, %cond3A_247 : i32
      scf.if %cond3A_248 {
        %dma_wait3A_267 = arith.constant 4 : i32
        %dma_wait3A_268 = arith.constant 0 : i32
        %dma_wait3A_269 = arith.constant 0 : i32
        %dma_wait3A_270 = tpu.memref_slice %arg6[%dma_wait3A_267, %dma_wait3A_268, %dma_wait3A_269] : memref<8x80x128xf32, #tpu.memory_space<vmem>> -> memref<1x80x128xf32, #tpu.memory_space<vmem>>
        %dma_wait3A_271 = tpu.memref_squeeze %dma_wait3A_270 : memref<1x80x128xf32, #tpu.memory_space<vmem>> -> memref<80x128xf32, #tpu.memory_space<vmem>>
        %dma_wait3A_272 = arith.constant 0 : i32
        %dma_wait3A_273 = tpu.memref_slice %arg5[%dma_wait3A_272] : memref<6560xi32, #tpu.memory_space<vmem>> -> memref<80xi32, #tpu.memory_space<vmem>>
        %dma_wait3A_274 = arith.constant 0 : i32
        %dma_wait3A_275 = arith.constant 0 : i32
        %dma_wait3A_276 = tpu.memref_slice %arg2[%dma_wait3A_274, %dma_wait3A_275] : memref<100000x128xf32, #tpu.memory_space<hbm>> -> memref<100000x128xf32, #tpu.memory_space<hbm>>
        tpu.wait_indirect_dma semaphore(%arg11 : memref<!tpu.dma_semaphore, #tpu.memory_space<semaphore_mem>>) src(%dma_wait3A_276 : memref<100000x128xf32, #tpu.memory_space<hbm>>) dst(%dma_wait3A_271 : memref<80x128xf32, #tpu.memory_space<vmem>>)
        %mul3A_277 = arith.constant 80 : i32
        %mul3A_278 = arith.muli %add3A_244, %mul3A_277 : i32
        %add3A_279 = arith.addi %add3A, %mul3A_278 : i32
        %dma_start3A_280 = arith.constant 4 : i32
        %dma_start3A_281 = arith.constant 0 : i32
        %dma_start3A_282 = arith.constant 0 : i32
        %dma_start3A_283 = tpu.memref_slice %arg6[%dma_start3A_280, %dma_start3A_281, %dma_start3A_282] : memref<8x80x128xf32, #tpu.memory_space<vmem>> -> memref<1x80x128xf32, #tpu.memory_space<vmem>>
        %dma_start3A_284 = tpu.memref_squeeze %dma_start3A_283 : memref<1x80x128xf32, #tpu.memory_space<vmem>> -> memref<80x128xf32, #tpu.memory_space<vmem>>
        %dma_start3A_285 = arith.constant 0 : i32
        %dma_start3A_286 = tpu.memref_slice %arg4[%add3A_279, %dma_start3A_285] : memref<204800x128xf32, #tpu.memory_space<hbm>> -> memref<80x128xf32, #tpu.memory_space<hbm>>
        %dma_start3A_287 = arith.constant 0 : i32
        %dma_start3A_288 = tpu.memref_slice %arg4[%add3A_279, %dma_start3A_287] : memref<204800x128xf32, #tpu.memory_space<hbm>> -> memref<80x128xf32, #tpu.memory_space<hbm>>
        %dma_start3A_289 = arith.constant 0 : i32
        %dma_start3A_290 = arith.constant 0 : i32
        %dma_start3A_291 = tpu.memref_slice %arg6[%dma_start3A_280, %dma_start3A_289, %dma_start3A_290] : memref<8x80x128xf32, #tpu.memory_space<vmem>> -> memref<1x80x128xf32, #tpu.memory_space<vmem>>
        %dma_start3A_292 = tpu.memref_squeeze %dma_start3A_291 : memref<1x80x128xf32, #tpu.memory_space<vmem>> -> memref<80x128xf32, #tpu.memory_space<vmem>>
        tpu.enqueue_dma source(%dma_start3A_292 : memref<80x128xf32, #tpu.memory_space<vmem>>) target(%dma_start3A_288 : memref<80x128xf32, #tpu.memory_space<hbm>>) target_semaphore(%arg19 : memref<!tpu.dma_semaphore, #tpu.memory_space<semaphore_mem>>)
        %add3A_293 = arith.constant 7 : i32
        %add3A_294 = arith.addi %add3A_244, %add3A_293 : i32
        %ge3A = arith.constant 8 : i32
        %ge3A_295 = arith.cmpi sge, %add3A_294, %ge3A : i32
        %lt3A_296 = arith.cmpi slt, %add3A_294, %select_n3A : i32
        %and3A_297 = arith.andi %ge3A_295, %lt3A_296 : i1
        %convert_element_type3A_298 = arith.extui %and3A_297 : i1 to i32
        %cond3A_299 = arith.constant 0 : i32
        %cond3A_300 = arith.cmpi ne, %convert_element_type3A_298, %cond3A_299 : i32
        scf.if %cond3A_300 {
          %dma_wait3A_305 = arith.constant 3 : i32
          %dma_wait3A_306 = arith.constant 0 : i32
          %dma_wait3A_307 = arith.constant 0 : i32
          %dma_wait3A_308 = tpu.memref_slice %arg6[%dma_wait3A_305, %dma_wait3A_306, %dma_wait3A_307] : memref<8x80x128xf32, #tpu.memory_space<vmem>> -> memref<1x80x128xf32, #tpu.memory_space<vmem>>
          %dma_wait3A_309 = tpu.memref_squeeze %dma_wait3A_308 : memref<1x80x128xf32, #tpu.memory_space<vmem>> -> memref<80x128xf32, #tpu.memory_space<vmem>>
          %dma_wait3A_310 = arith.constant 0 : i32
          %dma_wait3A_311 = tpu.memref_slice %arg4[%add3A, %dma_wait3A_310] : memref<204800x128xf32, #tpu.memory_space<hbm>> -> memref<80x128xf32, #tpu.memory_space<hbm>>
          %dma_wait3A_312 = arith.constant 0 : i32
          %dma_wait3A_313 = tpu.memref_slice %arg4[%add3A, %dma_wait3A_312] : memref<204800x128xf32, #tpu.memory_space<hbm>> -> memref<80x128xf32, #tpu.memory_space<hbm>>
          %dma_wait3A_314 = arith.constant 0 : i32
          %dma_wait3A_315 = arith.constant 0 : i32
          %dma_wait3A_316 = tpu.memref_slice %arg6[%dma_wait3A_305, %dma_wait3A_314, %dma_wait3A_315] : memref<8x80x128xf32, #tpu.memory_space<vmem>> -> memref<1x80x128xf32, #tpu.memory_space<vmem>>
          %dma_wait3A_317 = tpu.memref_squeeze %dma_wait3A_316 : memref<1x80x128xf32, #tpu.memory_space<vmem>> -> memref<80x128xf32, #tpu.memory_space<vmem>>
          tpu.wait_dma2 semaphore(%arg18 : memref<!tpu.dma_semaphore, #tpu.memory_space<semaphore_mem>>) src(%dma_wait3A_317 : memref<80x128xf32, #tpu.memory_space<vmem>>) dst(%dma_wait3A_313 : memref<80x128xf32, #tpu.memory_space<hbm>>)
        } else {
        }
        %lt3A_301 = arith.cmpi slt, %add3A_294, %select_n3A : i32
        %convert_element_type3A_302 = arith.extui %lt3A_301 : i1 to i32
        %cond3A_303 = arith.constant 0 : i32
        %cond3A_304 = arith.cmpi ne, %convert_element_type3A_302, %cond3A_303 : i32
        scf.if %cond3A_304 {
          %mul3A_305 = arith.constant 80 : i32
          %mul3A_306 = arith.muli %add3A_294, %mul3A_305 : i32
          %dma_start3A_307 = arith.constant 3 : i32
          %dma_start3A_308 = arith.constant 0 : i32
          %dma_start3A_309 = arith.constant 0 : i32
          %dma_start3A_310 = tpu.memref_slice %arg6[%dma_start3A_307, %dma_start3A_308, %dma_start3A_309] : memref<8x80x128xf32, #tpu.memory_space<vmem>> -> memref<1x80x128xf32, #tpu.memory_space<vmem>>
          %dma_start3A_311 = tpu.memref_squeeze %dma_start3A_310 : memref<1x80x128xf32, #tpu.memory_space<vmem>> -> memref<80x128xf32, #tpu.memory_space<vmem>>
          %dma_start3A_312 = tpu.memref_slice %arg5[%mul3A_306] : memref<6560xi32, #tpu.memory_space<vmem>> -> memref<80xi32, #tpu.memory_space<vmem>>
          %dma_start3A_313 = arith.constant 0 : i32
          %dma_start3A_314 = arith.constant 0 : i32
          %dma_start3A_315 = tpu.memref_slice %arg2[%dma_start3A_313, %dma_start3A_314] : memref<100000x128xf32, #tpu.memory_space<hbm>> -> memref<100000x128xf32, #tpu.memory_space<hbm>>
          tpu.enqueue_indirect_dma source(%dma_start3A_315 : memref<100000x128xf32, #tpu.memory_space<hbm>>) target(%dma_start3A_311 : memref<80x128xf32, #tpu.memory_space<vmem>>) offsets(%dma_start3A_312 : memref<80xi32, #tpu.memory_space<vmem>>) semaphore(%arg10 : memref<!tpu.dma_semaphore, #tpu.memory_space<semaphore_mem>>)
        } else {
        }
      } else {
      }
      %add3A_249 = arith.constant 5 : i32
      %add3A_250 = arith.addi %mul3A_221, %add3A_249 : i32
      %lt3A_251 = arith.cmpi slt, %add3A_250, %select_n3A : i32
      %convert_element_type3A_252 = arith.extui %lt3A_251 : i1 to i32
      %cond3A_253 = arith.constant 0 : i32
      %cond3A_254 = arith.cmpi ne, %convert_element_type3A_252, %cond3A_253 : i32
      scf.if %cond3A_254 {
        %dma_wait3A_267 = arith.constant 5 : i32
        %dma_wait3A_268 = arith.constant 0 : i32
        %dma_wait3A_269 = arith.constant 0 : i32
        %dma_wait3A_270 = tpu.memref_slice %arg6[%dma_wait3A_267, %dma_wait3A_268, %dma_wait3A_269] : memref<8x80x128xf32, #tpu.memory_space<vmem>> -> memref<1x80x128xf32, #tpu.memory_space<vmem>>
        %dma_wait3A_271 = tpu.memref_squeeze %dma_wait3A_270 : memref<1x80x128xf32, #tpu.memory_space<vmem>> -> memref<80x128xf32, #tpu.memory_space<vmem>>
        %dma_wait3A_272 = arith.constant 0 : i32
        %dma_wait3A_273 = tpu.memref_slice %arg5[%dma_wait3A_272] : memref<6560xi32, #tpu.memory_space<vmem>> -> memref<80xi32, #tpu.memory_space<vmem>>
        %dma_wait3A_274 = arith.constant 0 : i32
        %dma_wait3A_275 = arith.constant 0 : i32
        %dma_wait3A_276 = tpu.memref_slice %arg2[%dma_wait3A_274, %dma_wait3A_275] : memref<100000x128xf32, #tpu.memory_space<hbm>> -> memref<100000x128xf32, #tpu.memory_space<hbm>>
        tpu.wait_indirect_dma semaphore(%arg12 : memref<!tpu.dma_semaphore, #tpu.memory_space<semaphore_mem>>) src(%dma_wait3A_276 : memref<100000x128xf32, #tpu.memory_space<hbm>>) dst(%dma_wait3A_271 : memref<80x128xf32, #tpu.memory_space<vmem>>)
        %mul3A_277 = arith.constant 80 : i32
        %mul3A_278 = arith.muli %add3A_250, %mul3A_277 : i32
        %add3A_279 = arith.addi %add3A, %mul3A_278 : i32
        %dma_start3A_280 = arith.constant 5 : i32
        %dma_start3A_281 = arith.constant 0 : i32
        %dma_start3A_282 = arith.constant 0 : i32
        %dma_start3A_283 = tpu.memref_slice %arg6[%dma_start3A_280, %dma_start3A_281, %dma_start3A_282] : memref<8x80x128xf32, #tpu.memory_space<vmem>> -> memref<1x80x128xf32, #tpu.memory_space<vmem>>
        %dma_start3A_284 = tpu.memref_squeeze %dma_start3A_283 : memref<1x80x128xf32, #tpu.memory_space<vmem>> -> memref<80x128xf32, #tpu.memory_space<vmem>>
        %dma_start3A_285 = arith.constant 0 : i32
        %dma_start3A_286 = tpu.memref_slice %arg4[%add3A_279, %dma_start3A_285] : memref<204800x128xf32, #tpu.memory_space<hbm>> -> memref<80x128xf32, #tpu.memory_space<hbm>>
        %dma_start3A_287 = arith.constant 0 : i32
        %dma_start3A_288 = tpu.memref_slice %arg4[%add3A_279, %dma_start3A_287] : memref<204800x128xf32, #tpu.memory_space<hbm>> -> memref<80x128xf32, #tpu.memory_space<hbm>>
        %dma_start3A_289 = arith.constant 0 : i32
        %dma_start3A_290 = arith.constant 0 : i32
        %dma_start3A_291 = tpu.memref_slice %arg6[%dma_start3A_280, %dma_start3A_289, %dma_start3A_290] : memref<8x80x128xf32, #tpu.memory_space<vmem>> -> memref<1x80x128xf32, #tpu.memory_space<vmem>>
        %dma_start3A_292 = tpu.memref_squeeze %dma_start3A_291 : memref<1x80x128xf32, #tpu.memory_space<vmem>> -> memref<80x128xf32, #tpu.memory_space<vmem>>
        tpu.enqueue_dma source(%dma_start3A_292 : memref<80x128xf32, #tpu.memory_space<vmem>>) target(%dma_start3A_288 : memref<80x128xf32, #tpu.memory_space<hbm>>) target_semaphore(%arg20 : memref<!tpu.dma_semaphore, #tpu.memory_space<semaphore_mem>>)
        %add3A_293 = arith.constant 7 : i32
        %add3A_294 = arith.addi %add3A_250, %add3A_293 : i32
        %ge3A = arith.constant 8 : i32
        %ge3A_295 = arith.cmpi sge, %add3A_294, %ge3A : i32
        %lt3A_296 = arith.cmpi slt, %add3A_294, %select_n3A : i32
        %and3A_297 = arith.andi %ge3A_295, %lt3A_296 : i1
        %convert_element_type3A_298 = arith.extui %and3A_297 : i1 to i32
        %cond3A_299 = arith.constant 0 : i32
        %cond3A_300 = arith.cmpi ne, %convert_element_type3A_298, %cond3A_299 : i32
        scf.if %cond3A_300 {
          %dma_wait3A_305 = arith.constant 4 : i32
          %dma_wait3A_306 = arith.constant 0 : i32
          %dma_wait3A_307 = arith.constant 0 : i32
          %dma_wait3A_308 = tpu.memref_slice %arg6[%dma_wait3A_305, %dma_wait3A_306, %dma_wait3A_307] : memref<8x80x128xf32, #tpu.memory_space<vmem>> -> memref<1x80x128xf32, #tpu.memory_space<vmem>>
          %dma_wait3A_309 = tpu.memref_squeeze %dma_wait3A_308 : memref<1x80x128xf32, #tpu.memory_space<vmem>> -> memref<80x128xf32, #tpu.memory_space<vmem>>
          %dma_wait3A_310 = arith.constant 0 : i32
          %dma_wait3A_311 = tpu.memref_slice %arg4[%add3A, %dma_wait3A_310] : memref<204800x128xf32, #tpu.memory_space<hbm>> -> memref<80x128xf32, #tpu.memory_space<hbm>>
          %dma_wait3A_312 = arith.constant 0 : i32
          %dma_wait3A_313 = tpu.memref_slice %arg4[%add3A, %dma_wait3A_312] : memref<204800x128xf32, #tpu.memory_space<hbm>> -> memref<80x128xf32, #tpu.memory_space<hbm>>
          %dma_wait3A_314 = arith.constant 0 : i32
          %dma_wait3A_315 = arith.constant 0 : i32
          %dma_wait3A_316 = tpu.memref_slice %arg6[%dma_wait3A_305, %dma_wait3A_314, %dma_wait3A_315] : memref<8x80x128xf32, #tpu.memory_space<vmem>> -> memref<1x80x128xf32, #tpu.memory_space<vmem>>
          %dma_wait3A_317 = tpu.memref_squeeze %dma_wait3A_316 : memref<1x80x128xf32, #tpu.memory_space<vmem>> -> memref<80x128xf32, #tpu.memory_space<vmem>>
          tpu.wait_dma2 semaphore(%arg19 : memref<!tpu.dma_semaphore, #tpu.memory_space<semaphore_mem>>) src(%dma_wait3A_317 : memref<80x128xf32, #tpu.memory_space<vmem>>) dst(%dma_wait3A_313 : memref<80x128xf32, #tpu.memory_space<hbm>>)
        } else {
        }
        %lt3A_301 = arith.cmpi slt, %add3A_294, %select_n3A : i32
        %convert_element_type3A_302 = arith.extui %lt3A_301 : i1 to i32
        %cond3A_303 = arith.constant 0 : i32
        %cond3A_304 = arith.cmpi ne, %convert_element_type3A_302, %cond3A_303 : i32
        scf.if %cond3A_304 {
          %mul3A_305 = arith.constant 80 : i32
          %mul3A_306 = arith.muli %add3A_294, %mul3A_305 : i32
          %dma_start3A_307 = arith.constant 4 : i32
          %dma_start3A_308 = arith.constant 0 : i32
          %dma_start3A_309 = arith.constant 0 : i32
          %dma_start3A_310 = tpu.memref_slice %arg6[%dma_start3A_307, %dma_start3A_308, %dma_start3A_309] : memref<8x80x128xf32, #tpu.memory_space<vmem>> -> memref<1x80x128xf32, #tpu.memory_space<vmem>>
          %dma_start3A_311 = tpu.memref_squeeze %dma_start3A_310 : memref<1x80x128xf32, #tpu.memory_space<vmem>> -> memref<80x128xf32, #tpu.memory_space<vmem>>
          %dma_start3A_312 = tpu.memref_slice %arg5[%mul3A_306] : memref<6560xi32, #tpu.memory_space<vmem>> -> memref<80xi32, #tpu.memory_space<vmem>>
          %dma_start3A_313 = arith.constant 0 : i32
          %dma_start3A_314 = arith.constant 0 : i32
          %dma_start3A_315 = tpu.memref_slice %arg2[%dma_start3A_313, %dma_start3A_314] : memref<100000x128xf32, #tpu.memory_space<hbm>> -> memref<100000x128xf32, #tpu.memory_space<hbm>>
          tpu.enqueue_indirect_dma source(%dma_start3A_315 : memref<100000x128xf32, #tpu.memory_space<hbm>>) target(%dma_start3A_311 : memref<80x128xf32, #tpu.memory_space<vmem>>) offsets(%dma_start3A_312 : memref<80xi32, #tpu.memory_space<vmem>>) semaphore(%arg11 : memref<!tpu.dma_semaphore, #tpu.memory_space<semaphore_mem>>)
        } else {
        }
      } else {
      }
      %add3A_255 = arith.constant 6 : i32
      %add3A_256 = arith.addi %mul3A_221, %add3A_255 : i32
      %lt3A_257 = arith.cmpi slt, %add3A_256, %select_n3A : i32
      %convert_element_type3A_258 = arith.extui %lt3A_257 : i1 to i32
      %cond3A_259 = arith.constant 0 : i32
      %cond3A_260 = arith.cmpi ne, %convert_element_type3A_258, %cond3A_259 : i32
      scf.if %cond3A_260 {
        %dma_wait3A_267 = arith.constant 6 : i32
        %dma_wait3A_268 = arith.constant 0 : i32
        %dma_wait3A_269 = arith.constant 0 : i32
        %dma_wait3A_270 = tpu.memref_slice %arg6[%dma_wait3A_267, %dma_wait3A_268, %dma_wait3A_269] : memref<8x80x128xf32, #tpu.memory_space<vmem>> -> memref<1x80x128xf32, #tpu.memory_space<vmem>>
        %dma_wait3A_271 = tpu.memref_squeeze %dma_wait3A_270 : memref<1x80x128xf32, #tpu.memory_space<vmem>> -> memref<80x128xf32, #tpu.memory_space<vmem>>
        %dma_wait3A_272 = arith.constant 0 : i32
        %dma_wait3A_273 = tpu.memref_slice %arg5[%dma_wait3A_272] : memref<6560xi32, #tpu.memory_space<vmem>> -> memref<80xi32, #tpu.memory_space<vmem>>
        %dma_wait3A_274 = arith.constant 0 : i32
        %dma_wait3A_275 = arith.constant 0 : i32
        %dma_wait3A_276 = tpu.memref_slice %arg2[%dma_wait3A_274, %dma_wait3A_275] : memref<100000x128xf32, #tpu.memory_space<hbm>> -> memref<100000x128xf32, #tpu.memory_space<hbm>>
        tpu.wait_indirect_dma semaphore(%arg13 : memref<!tpu.dma_semaphore, #tpu.memory_space<semaphore_mem>>) src(%dma_wait3A_276 : memref<100000x128xf32, #tpu.memory_space<hbm>>) dst(%dma_wait3A_271 : memref<80x128xf32, #tpu.memory_space<vmem>>)
        %mul3A_277 = arith.constant 80 : i32
        %mul3A_278 = arith.muli %add3A_256, %mul3A_277 : i32
        %add3A_279 = arith.addi %add3A, %mul3A_278 : i32
        %dma_start3A_280 = arith.constant 6 : i32
        %dma_start3A_281 = arith.constant 0 : i32
        %dma_start3A_282 = arith.constant 0 : i32
        %dma_start3A_283 = tpu.memref_slice %arg6[%dma_start3A_280, %dma_start3A_281, %dma_start3A_282] : memref<8x80x128xf32, #tpu.memory_space<vmem>> -> memref<1x80x128xf32, #tpu.memory_space<vmem>>
        %dma_start3A_284 = tpu.memref_squeeze %dma_start3A_283 : memref<1x80x128xf32, #tpu.memory_space<vmem>> -> memref<80x128xf32, #tpu.memory_space<vmem>>
        %dma_start3A_285 = arith.constant 0 : i32
        %dma_start3A_286 = tpu.memref_slice %arg4[%add3A_279, %dma_start3A_285] : memref<204800x128xf32, #tpu.memory_space<hbm>> -> memref<80x128xf32, #tpu.memory_space<hbm>>
        %dma_start3A_287 = arith.constant 0 : i32
        %dma_start3A_288 = tpu.memref_slice %arg4[%add3A_279, %dma_start3A_287] : memref<204800x128xf32, #tpu.memory_space<hbm>> -> memref<80x128xf32, #tpu.memory_space<hbm>>
        %dma_start3A_289 = arith.constant 0 : i32
        %dma_start3A_290 = arith.constant 0 : i32
        %dma_start3A_291 = tpu.memref_slice %arg6[%dma_start3A_280, %dma_start3A_289, %dma_start3A_290] : memref<8x80x128xf32, #tpu.memory_space<vmem>> -> memref<1x80x128xf32, #tpu.memory_space<vmem>>
        %dma_start3A_292 = tpu.memref_squeeze %dma_start3A_291 : memref<1x80x128xf32, #tpu.memory_space<vmem>> -> memref<80x128xf32, #tpu.memory_space<vmem>>
        tpu.enqueue_dma source(%dma_start3A_292 : memref<80x128xf32, #tpu.memory_space<vmem>>) target(%dma_start3A_288 : memref<80x128xf32, #tpu.memory_space<hbm>>) target_semaphore(%arg21 : memref<!tpu.dma_semaphore, #tpu.memory_space<semaphore_mem>>)
        %add3A_293 = arith.constant 7 : i32
        %add3A_294 = arith.addi %add3A_256, %add3A_293 : i32
        %ge3A = arith.constant 8 : i32
        %ge3A_295 = arith.cmpi sge, %add3A_294, %ge3A : i32
        %lt3A_296 = arith.cmpi slt, %add3A_294, %select_n3A : i32
        %and3A_297 = arith.andi %ge3A_295, %lt3A_296 : i1
        %convert_element_type3A_298 = arith.extui %and3A_297 : i1 to i32
        %cond3A_299 = arith.constant 0 : i32
        %cond3A_300 = arith.cmpi ne, %convert_element_type3A_298, %cond3A_299 : i32
        scf.if %cond3A_300 {
          %dma_wait3A_305 = arith.constant 5 : i32
          %dma_wait3A_306 = arith.constant 0 : i32
          %dma_wait3A_307 = arith.constant 0 : i32
          %dma_wait3A_308 = tpu.memref_slice %arg6[%dma_wait3A_305, %dma_wait3A_306, %dma_wait3A_307] : memref<8x80x128xf32, #tpu.memory_space<vmem>> -> memref<1x80x128xf32, #tpu.memory_space<vmem>>
          %dma_wait3A_309 = tpu.memref_squeeze %dma_wait3A_308 : memref<1x80x128xf32, #tpu.memory_space<vmem>> -> memref<80x128xf32, #tpu.memory_space<vmem>>
          %dma_wait3A_310 = arith.constant 0 : i32
          %dma_wait3A_311 = tpu.memref_slice %arg4[%add3A, %dma_wait3A_310] : memref<204800x128xf32, #tpu.memory_space<hbm>> -> memref<80x128xf32, #tpu.memory_space<hbm>>
          %dma_wait3A_312 = arith.constant 0 : i32
          %dma_wait3A_313 = tpu.memref_slice %arg4[%add3A, %dma_wait3A_312] : memref<204800x128xf32, #tpu.memory_space<hbm>> -> memref<80x128xf32, #tpu.memory_space<hbm>>
          %dma_wait3A_314 = arith.constant 0 : i32
          %dma_wait3A_315 = arith.constant 0 : i32
          %dma_wait3A_316 = tpu.memref_slice %arg6[%dma_wait3A_305, %dma_wait3A_314, %dma_wait3A_315] : memref<8x80x128xf32, #tpu.memory_space<vmem>> -> memref<1x80x128xf32, #tpu.memory_space<vmem>>
          %dma_wait3A_317 = tpu.memref_squeeze %dma_wait3A_316 : memref<1x80x128xf32, #tpu.memory_space<vmem>> -> memref<80x128xf32, #tpu.memory_space<vmem>>
          tpu.wait_dma2 semaphore(%arg20 : memref<!tpu.dma_semaphore, #tpu.memory_space<semaphore_mem>>) src(%dma_wait3A_317 : memref<80x128xf32, #tpu.memory_space<vmem>>) dst(%dma_wait3A_313 : memref<80x128xf32, #tpu.memory_space<hbm>>)
        } else {
        }
        %lt3A_301 = arith.cmpi slt, %add3A_294, %select_n3A : i32
        %convert_element_type3A_302 = arith.extui %lt3A_301 : i1 to i32
        %cond3A_303 = arith.constant 0 : i32
        %cond3A_304 = arith.cmpi ne, %convert_element_type3A_302, %cond3A_303 : i32
        scf.if %cond3A_304 {
          %mul3A_305 = arith.constant 80 : i32
          %mul3A_306 = arith.muli %add3A_294, %mul3A_305 : i32
          %dma_start3A_307 = arith.constant 5 : i32
          %dma_start3A_308 = arith.constant 0 : i32
          %dma_start3A_309 = arith.constant 0 : i32
          %dma_start3A_310 = tpu.memref_slice %arg6[%dma_start3A_307, %dma_start3A_308, %dma_start3A_309] : memref<8x80x128xf32, #tpu.memory_space<vmem>> -> memref<1x80x128xf32, #tpu.memory_space<vmem>>
          %dma_start3A_311 = tpu.memref_squeeze %dma_start3A_310 : memref<1x80x128xf32, #tpu.memory_space<vmem>> -> memref<80x128xf32, #tpu.memory_space<vmem>>
          %dma_start3A_312 = tpu.memref_slice %arg5[%mul3A_306] : memref<6560xi32, #tpu.memory_space<vmem>> -> memref<80xi32, #tpu.memory_space<vmem>>
          %dma_start3A_313 = arith.constant 0 : i32
          %dma_start3A_314 = arith.constant 0 : i32
          %dma_start3A_315 = tpu.memref_slice %arg2[%dma_start3A_313, %dma_start3A_314] : memref<100000x128xf32, #tpu.memory_space<hbm>> -> memref<100000x128xf32, #tpu.memory_space<hbm>>
          tpu.enqueue_indirect_dma source(%dma_start3A_315 : memref<100000x128xf32, #tpu.memory_space<hbm>>) target(%dma_start3A_311 : memref<80x128xf32, #tpu.memory_space<vmem>>) offsets(%dma_start3A_312 : memref<80xi32, #tpu.memory_space<vmem>>) semaphore(%arg12 : memref<!tpu.dma_semaphore, #tpu.memory_space<semaphore_mem>>)
        } else {
        }
      } else {
      }
      %add3A_261 = arith.constant 7 : i32
      %add3A_262 = arith.addi %mul3A_221, %add3A_261 : i32
      %lt3A_263 = arith.cmpi slt, %add3A_262, %select_n3A : i32
      %convert_element_type3A_264 = arith.extui %lt3A_263 : i1 to i32
      %cond3A_265 = arith.constant 0 : i32
      %cond3A_266 = arith.cmpi ne, %convert_element_type3A_264, %cond3A_265 : i32
      scf.if %cond3A_266 {
        %dma_wait3A_267 = arith.constant 7 : i32
        %dma_wait3A_268 = arith.constant 0 : i32
        %dma_wait3A_269 = arith.constant 0 : i32
        %dma_wait3A_270 = tpu.memref_slice %arg6[%dma_wait3A_267, %dma_wait3A_268, %dma_wait3A_269] : memref<8x80x128xf32, #tpu.memory_space<vmem>> -> memref<1x80x128xf32, #tpu.memory_space<vmem>>
        %dma_wait3A_271 = tpu.memref_squeeze %dma_wait3A_270 : memref<1x80x128xf32, #tpu.memory_space<vmem>> -> memref<80x128xf32, #tpu.memory_space<vmem>>
        %dma_wait3A_272 = arith.constant 0 : i32
        %dma_wait3A_273 = tpu.memref_slice %arg5[%dma_wait3A_272] : memref<6560xi32, #tpu.memory_space<vmem>> -> memref<80xi32, #tpu.memory_space<vmem>>
        %dma_wait3A_274 = arith.constant 0 : i32
        %dma_wait3A_275 = arith.constant 0 : i32
        %dma_wait3A_276 = tpu.memref_slice %arg2[%dma_wait3A_274, %dma_wait3A_275] : memref<100000x128xf32, #tpu.memory_space<hbm>> -> memref<100000x128xf32, #tpu.memory_space<hbm>>
        tpu.wait_indirect_dma semaphore(%arg14 : memref<!tpu.dma_semaphore, #tpu.memory_space<semaphore_mem>>) src(%dma_wait3A_276 : memref<100000x128xf32, #tpu.memory_space<hbm>>) dst(%dma_wait3A_271 : memref<80x128xf32, #tpu.memory_space<vmem>>)
        %mul3A_277 = arith.constant 80 : i32
        %mul3A_278 = arith.muli %add3A_262, %mul3A_277 : i32
        %add3A_279 = arith.addi %add3A, %mul3A_278 : i32
        %dma_start3A_280 = arith.constant 7 : i32
        %dma_start3A_281 = arith.constant 0 : i32
        %dma_start3A_282 = arith.constant 0 : i32
        %dma_start3A_283 = tpu.memref_slice %arg6[%dma_start3A_280, %dma_start3A_281, %dma_start3A_282] : memref<8x80x128xf32, #tpu.memory_space<vmem>> -> memref<1x80x128xf32, #tpu.memory_space<vmem>>
        %dma_start3A_284 = tpu.memref_squeeze %dma_start3A_283 : memref<1x80x128xf32, #tpu.memory_space<vmem>> -> memref<80x128xf32, #tpu.memory_space<vmem>>
        %dma_start3A_285 = arith.constant 0 : i32
        %dma_start3A_286 = tpu.memref_slice %arg4[%add3A_279, %dma_start3A_285] : memref<204800x128xf32, #tpu.memory_space<hbm>> -> memref<80x128xf32, #tpu.memory_space<hbm>>
        %dma_start3A_287 = arith.constant 0 : i32
        %dma_start3A_288 = tpu.memref_slice %arg4[%add3A_279, %dma_start3A_287] : memref<204800x128xf32, #tpu.memory_space<hbm>> -> memref<80x128xf32, #tpu.memory_space<hbm>>
        %dma_start3A_289 = arith.constant 0 : i32
        %dma_start3A_290 = arith.constant 0 : i32
        %dma_start3A_291 = tpu.memref_slice %arg6[%dma_start3A_280, %dma_start3A_289, %dma_start3A_290] : memref<8x80x128xf32, #tpu.memory_space<vmem>> -> memref<1x80x128xf32, #tpu.memory_space<vmem>>
        %dma_start3A_292 = tpu.memref_squeeze %dma_start3A_291 : memref<1x80x128xf32, #tpu.memory_space<vmem>> -> memref<80x128xf32, #tpu.memory_space<vmem>>
        tpu.enqueue_dma source(%dma_start3A_292 : memref<80x128xf32, #tpu.memory_space<vmem>>) target(%dma_start3A_288 : memref<80x128xf32, #tpu.memory_space<hbm>>) target_semaphore(%arg22 : memref<!tpu.dma_semaphore, #tpu.memory_space<semaphore_mem>>)
        %add3A_293 = arith.constant 7 : i32
        %add3A_294 = arith.addi %add3A_262, %add3A_293 : i32
        %ge3A = arith.constant 8 : i32
        %ge3A_295 = arith.cmpi sge, %add3A_294, %ge3A : i32
        %lt3A_296 = arith.cmpi slt, %add3A_294, %select_n3A : i32
        %and3A_297 = arith.andi %ge3A_295, %lt3A_296 : i1
        %convert_element_type3A_298 = arith.extui %and3A_297 : i1 to i32
        %cond3A_299 = arith.constant 0 : i32
        %cond3A_300 = arith.cmpi ne, %convert_element_type3A_298, %cond3A_299 : i32
        scf.if %cond3A_300 {
          %dma_wait3A_305 = arith.constant 6 : i32
          %dma_wait3A_306 = arith.constant 0 : i32
          %dma_wait3A_307 = arith.constant 0 : i32
          %dma_wait3A_308 = tpu.memref_slice %arg6[%dma_wait3A_305, %dma_wait3A_306, %dma_wait3A_307] : memref<8x80x128xf32, #tpu.memory_space<vmem>> -> memref<1x80x128xf32, #tpu.memory_space<vmem>>
          %dma_wait3A_309 = tpu.memref_squeeze %dma_wait3A_308 : memref<1x80x128xf32, #tpu.memory_space<vmem>> -> memref<80x128xf32, #tpu.memory_space<vmem>>
          %dma_wait3A_310 = arith.constant 0 : i32
          %dma_wait3A_311 = tpu.memref_slice %arg4[%add3A, %dma_wait3A_310] : memref<204800x128xf32, #tpu.memory_space<hbm>> -> memref<80x128xf32, #tpu.memory_space<hbm>>
          %dma_wait3A_312 = arith.constant 0 : i32
          %dma_wait3A_313 = tpu.memref_slice %arg4[%add3A, %dma_wait3A_312] : memref<204800x128xf32, #tpu.memory_space<hbm>> -> memref<80x128xf32, #tpu.memory_space<hbm>>
          %dma_wait3A_314 = arith.constant 0 : i32
          %dma_wait3A_315 = arith.constant 0 : i32
          %dma_wait3A_316 = tpu.memref_slice %arg6[%dma_wait3A_305, %dma_wait3A_314, %dma_wait3A_315] : memref<8x80x128xf32, #tpu.memory_space<vmem>> -> memref<1x80x128xf32, #tpu.memory_space<vmem>>
          %dma_wait3A_317 = tpu.memref_squeeze %dma_wait3A_316 : memref<1x80x128xf32, #tpu.memory_space<vmem>> -> memref<80x128xf32, #tpu.memory_space<vmem>>
          tpu.wait_dma2 semaphore(%arg21 : memref<!tpu.dma_semaphore, #tpu.memory_space<semaphore_mem>>) src(%dma_wait3A_317 : memref<80x128xf32, #tpu.memory_space<vmem>>) dst(%dma_wait3A_313 : memref<80x128xf32, #tpu.memory_space<hbm>>)
        } else {
        }
        %lt3A_301 = arith.cmpi slt, %add3A_294, %select_n3A : i32
        %convert_element_type3A_302 = arith.extui %lt3A_301 : i1 to i32
        %cond3A_303 = arith.constant 0 : i32
        %cond3A_304 = arith.cmpi ne, %convert_element_type3A_302, %cond3A_303 : i32
        scf.if %cond3A_304 {
          %mul3A_305 = arith.constant 80 : i32
          %mul3A_306 = arith.muli %add3A_294, %mul3A_305 : i32
          %dma_start3A_307 = arith.constant 6 : i32
          %dma_start3A_308 = arith.constant 0 : i32
          %dma_start3A_309 = arith.constant 0 : i32
          %dma_start3A_310 = tpu.memref_slice %arg6[%dma_start3A_307, %dma_start3A_308, %dma_start3A_309] : memref<8x80x128xf32, #tpu.memory_space<vmem>> -> memref<1x80x128xf32, #tpu.memory_space<vmem>>
          %dma_start3A_311 = tpu.memref_squeeze %dma_start3A_310 : memref<1x80x128xf32, #tpu.memory_space<vmem>> -> memref<80x128xf32, #tpu.memory_space<vmem>>
          %dma_start3A_312 = tpu.memref_slice %arg5[%mul3A_306] : memref<6560xi32, #tpu.memory_space<vmem>> -> memref<80xi32, #tpu.memory_space<vmem>>
          %dma_start3A_313 = arith.constant 0 : i32
          %dma_start3A_314 = arith.constant 0 : i32
          %dma_start3A_315 = tpu.memref_slice %arg2[%dma_start3A_313, %dma_start3A_314] : memref<100000x128xf32, #tpu.memory_space<hbm>> -> memref<100000x128xf32, #tpu.memory_space<hbm>>
          tpu.enqueue_indirect_dma source(%dma_start3A_315 : memref<100000x128xf32, #tpu.memory_space<hbm>>) target(%dma_start3A_311 : memref<80x128xf32, #tpu.memory_space<vmem>>) offsets(%dma_start3A_312 : memref<80xi32, #tpu.memory_space<vmem>>) semaphore(%arg13 : memref<!tpu.dma_semaphore, #tpu.memory_space<semaphore_mem>>)
        } else {
        }
      } else {
      }
    }
    %dma_wait3A = arith.constant 0 : i32
    %dma_wait3A_114 = arith.constant 0 : i32
    %dma_wait3A_115 = arith.constant 0 : i32
    %dma_wait3A_116 = tpu.memref_slice %arg6[%dma_wait3A, %dma_wait3A_114, %dma_wait3A_115] : memref<8x80x128xf32, #tpu.memory_space<vmem>> -> memref<1x80x128xf32, #tpu.memory_space<vmem>>
    %dma_wait3A_117 = tpu.memref_squeeze %dma_wait3A_116 : memref<1x80x128xf32, #tpu.memory_space<vmem>> -> memref<80x128xf32, #tpu.memory_space<vmem>>
    %dma_wait3A_118 = arith.constant 0 : i32
    %dma_wait3A_119 = tpu.memref_slice %arg4[%add3A, %dma_wait3A_118] : memref<204800x128xf32, #tpu.memory_space<hbm>> -> memref<80x128xf32, #tpu.memory_space<hbm>>
    %dma_wait3A_120 = arith.constant 0 : i32
    %dma_wait3A_121 = tpu.memref_slice %arg4[%add3A, %dma_wait3A_120] : memref<204800x128xf32, #tpu.memory_space<hbm>> -> memref<80x128xf32, #tpu.memory_space<hbm>>
    %dma_wait3A_122 = arith.constant 0 : i32
    %dma_wait3A_123 = arith.constant 0 : i32
    %dma_wait3A_124 = tpu.memref_slice %arg6[%dma_wait3A, %dma_wait3A_122, %dma_wait3A_123] : memref<8x80x128xf32, #tpu.memory_space<vmem>> -> memref<1x80x128xf32, #tpu.memory_space<vmem>>
    %dma_wait3A_125 = tpu.memref_squeeze %dma_wait3A_124 : memref<1x80x128xf32, #tpu.memory_space<vmem>> -> memref<80x128xf32, #tpu.memory_space<vmem>>
    tpu.wait_dma2 semaphore(%arg15 : memref<!tpu.dma_semaphore, #tpu.memory_space<semaphore_mem>>) src(%dma_wait3A_125 : memref<80x128xf32, #tpu.memory_space<vmem>>) dst(%dma_wait3A_121 : memref<80x128xf32, #tpu.memory_space<hbm>>)
    %dma_wait3A_126 = arith.constant 1 : i32
    %dma_wait3A_127 = arith.constant 0 : i32
    %dma_wait3A_128 = arith.constant 0 : i32
    %dma_wait3A_129 = tpu.memref_slice %arg6[%dma_wait3A_126, %dma_wait3A_127, %dma_wait3A_128] : memref<8x80x128xf32, #tpu.memory_space<vmem>> -> memref<1x80x128xf32, #tpu.memory_space<vmem>>
    %dma_wait3A_130 = tpu.memref_squeeze %dma_wait3A_129 : memref<1x80x128xf32, #tpu.memory_space<vmem>> -> memref<80x128xf32, #tpu.memory_space<vmem>>
    %dma_wait3A_131 = arith.constant 0 : i32
    %dma_wait3A_132 = tpu.memref_slice %arg4[%add3A, %dma_wait3A_131] : memref<204800x128xf32, #tpu.memory_space<hbm>> -> memref<80x128xf32, #tpu.memory_space<hbm>>
    %dma_wait3A_133 = arith.constant 0 : i32
    %dma_wait3A_134 = tpu.memref_slice %arg4[%add3A, %dma_wait3A_133] : memref<204800x128xf32, #tpu.memory_space<hbm>> -> memref<80x128xf32, #tpu.memory_space<hbm>>
    %dma_wait3A_135 = arith.constant 0 : i32
    %dma_wait3A_136 = arith.constant 0 : i32
    %dma_wait3A_137 = tpu.memref_slice %arg6[%dma_wait3A_126, %dma_wait3A_135, %dma_wait3A_136] : memref<8x80x128xf32, #tpu.memory_space<vmem>> -> memref<1x80x128xf32, #tpu.memory_space<vmem>>
    %dma_wait3A_138 = tpu.memref_squeeze %dma_wait3A_137 : memref<1x80x128xf32, #tpu.memory_space<vmem>> -> memref<80x128xf32, #tpu.memory_space<vmem>>
    tpu.wait_dma2 semaphore(%arg16 : memref<!tpu.dma_semaphore, #tpu.memory_space<semaphore_mem>>) src(%dma_wait3A_138 : memref<80x128xf32, #tpu.memory_space<vmem>>) dst(%dma_wait3A_134 : memref<80x128xf32, #tpu.memory_space<hbm>>)
    %dma_wait3A_139 = arith.constant 2 : i32
    %dma_wait3A_140 = arith.constant 0 : i32
    %dma_wait3A_141 = arith.constant 0 : i32
    %dma_wait3A_142 = tpu.memref_slice %arg6[%dma_wait3A_139, %dma_wait3A_140, %dma_wait3A_141] : memref<8x80x128xf32, #tpu.memory_space<vmem>> -> memref<1x80x128xf32, #tpu.memory_space<vmem>>
    %dma_wait3A_143 = tpu.memref_squeeze %dma_wait3A_142 : memref<1x80x128xf32, #tpu.memory_space<vmem>> -> memref<80x128xf32, #tpu.memory_space<vmem>>
    %dma_wait3A_144 = arith.constant 0 : i32
    %dma_wait3A_145 = tpu.memref_slice %arg4[%add3A, %dma_wait3A_144] : memref<204800x128xf32, #tpu.memory_space<hbm>> -> memref<80x128xf32, #tpu.memory_space<hbm>>
    %dma_wait3A_146 = arith.constant 0 : i32
    %dma_wait3A_147 = tpu.memref_slice %arg4[%add3A, %dma_wait3A_146] : memref<204800x128xf32, #tpu.memory_space<hbm>> -> memref<80x128xf32, #tpu.memory_space<hbm>>
    %dma_wait3A_148 = arith.constant 0 : i32
    %dma_wait3A_149 = arith.constant 0 : i32
    %dma_wait3A_150 = tpu.memref_slice %arg6[%dma_wait3A_139, %dma_wait3A_148, %dma_wait3A_149] : memref<8x80x128xf32, #tpu.memory_space<vmem>> -> memref<1x80x128xf32, #tpu.memory_space<vmem>>
    %dma_wait3A_151 = tpu.memref_squeeze %dma_wait3A_150 : memref<1x80x128xf32, #tpu.memory_space<vmem>> -> memref<80x128xf32, #tpu.memory_space<vmem>>
    tpu.wait_dma2 semaphore(%arg17 : memref<!tpu.dma_semaphore, #tpu.memory_space<semaphore_mem>>) src(%dma_wait3A_151 : memref<80x128xf32, #tpu.memory_space<vmem>>) dst(%dma_wait3A_147 : memref<80x128xf32, #tpu.memory_space<hbm>>)
    %dma_wait3A_152 = arith.constant 3 : i32
    %dma_wait3A_153 = arith.constant 0 : i32
    %dma_wait3A_154 = arith.constant 0 : i32
    %dma_wait3A_155 = tpu.memref_slice %arg6[%dma_wait3A_152, %dma_wait3A_153, %dma_wait3A_154] : memref<8x80x128xf32, #tpu.memory_space<vmem>> -> memref<1x80x128xf32, #tpu.memory_space<vmem>>
    %dma_wait3A_156 = tpu.memref_squeeze %dma_wait3A_155 : memref<1x80x128xf32, #tpu.memory_space<vmem>> -> memref<80x128xf32, #tpu.memory_space<vmem>>
    %dma_wait3A_157 = arith.constant 0 : i32
    %dma_wait3A_158 = tpu.memref_slice %arg4[%add3A, %dma_wait3A_157] : memref<204800x128xf32, #tpu.memory_space<hbm>> -> memref<80x128xf32, #tpu.memory_space<hbm>>
    %dma_wait3A_159 = arith.constant 0 : i32
    %dma_wait3A_160 = tpu.memref_slice %arg4[%add3A, %dma_wait3A_159] : memref<204800x128xf32, #tpu.memory_space<hbm>> -> memref<80x128xf32, #tpu.memory_space<hbm>>
    %dma_wait3A_161 = arith.constant 0 : i32
    %dma_wait3A_162 = arith.constant 0 : i32
    %dma_wait3A_163 = tpu.memref_slice %arg6[%dma_wait3A_152, %dma_wait3A_161, %dma_wait3A_162] : memref<8x80x128xf32, #tpu.memory_space<vmem>> -> memref<1x80x128xf32, #tpu.memory_space<vmem>>
    %dma_wait3A_164 = tpu.memref_squeeze %dma_wait3A_163 : memref<1x80x128xf32, #tpu.memory_space<vmem>> -> memref<80x128xf32, #tpu.memory_space<vmem>>
    tpu.wait_dma2 semaphore(%arg18 : memref<!tpu.dma_semaphore, #tpu.memory_space<semaphore_mem>>) src(%dma_wait3A_164 : memref<80x128xf32, #tpu.memory_space<vmem>>) dst(%dma_wait3A_160 : memref<80x128xf32, #tpu.memory_space<hbm>>)
    %dma_wait3A_165 = arith.constant 4 : i32
    %dma_wait3A_166 = arith.constant 0 : i32
    %dma_wait3A_167 = arith.constant 0 : i32
    %dma_wait3A_168 = tpu.memref_slice %arg6[%dma_wait3A_165, %dma_wait3A_166, %dma_wait3A_167] : memref<8x80x128xf32, #tpu.memory_space<vmem>> -> memref<1x80x128xf32, #tpu.memory_space<vmem>>
    %dma_wait3A_169 = tpu.memref_squeeze %dma_wait3A_168 : memref<1x80x128xf32, #tpu.memory_space<vmem>> -> memref<80x128xf32, #tpu.memory_space<vmem>>
    %dma_wait3A_170 = arith.constant 0 : i32
    %dma_wait3A_171 = tpu.memref_slice %arg4[%add3A, %dma_wait3A_170] : memref<204800x128xf32, #tpu.memory_space<hbm>> -> memref<80x128xf32, #tpu.memory_space<hbm>>
    %dma_wait3A_172 = arith.constant 0 : i32
    %dma_wait3A_173 = tpu.memref_slice %arg4[%add3A, %dma_wait3A_172] : memref<204800x128xf32, #tpu.memory_space<hbm>> -> memref<80x128xf32, #tpu.memory_space<hbm>>
    %dma_wait3A_174 = arith.constant 0 : i32
    %dma_wait3A_175 = arith.constant 0 : i32
    %dma_wait3A_176 = tpu.memref_slice %arg6[%dma_wait3A_165, %dma_wait3A_174, %dma_wait3A_175] : memref<8x80x128xf32, #tpu.memory_space<vmem>> -> memref<1x80x128xf32, #tpu.memory_space<vmem>>
    %dma_wait3A_177 = tpu.memref_squeeze %dma_wait3A_176 : memref<1x80x128xf32, #tpu.memory_space<vmem>> -> memref<80x128xf32, #tpu.memory_space<vmem>>
    tpu.wait_dma2 semaphore(%arg19 : memref<!tpu.dma_semaphore, #tpu.memory_space<semaphore_mem>>) src(%dma_wait3A_177 : memref<80x128xf32, #tpu.memory_space<vmem>>) dst(%dma_wait3A_173 : memref<80x128xf32, #tpu.memory_space<hbm>>)
    %dma_wait3A_178 = arith.constant 5 : i32
    %dma_wait3A_179 = arith.constant 0 : i32
    %dma_wait3A_180 = arith.constant 0 : i32
    %dma_wait3A_181 = tpu.memref_slice %arg6[%dma_wait3A_178, %dma_wait3A_179, %dma_wait3A_180] : memref<8x80x128xf32, #tpu.memory_space<vmem>> -> memref<1x80x128xf32, #tpu.memory_space<vmem>>
    %dma_wait3A_182 = tpu.memref_squeeze %dma_wait3A_181 : memref<1x80x128xf32, #tpu.memory_space<vmem>> -> memref<80x128xf32, #tpu.memory_space<vmem>>
    %dma_wait3A_183 = arith.constant 0 : i32
    %dma_wait3A_184 = tpu.memref_slice %arg4[%add3A, %dma_wait3A_183] : memref<204800x128xf32, #tpu.memory_space<hbm>> -> memref<80x128xf32, #tpu.memory_space<hbm>>
    %dma_wait3A_185 = arith.constant 0 : i32
    %dma_wait3A_186 = tpu.memref_slice %arg4[%add3A, %dma_wait3A_185] : memref<204800x128xf32, #tpu.memory_space<hbm>> -> memref<80x128xf32, #tpu.memory_space<hbm>>
    %dma_wait3A_187 = arith.constant 0 : i32
    %dma_wait3A_188 = arith.constant 0 : i32
    %dma_wait3A_189 = tpu.memref_slice %arg6[%dma_wait3A_178, %dma_wait3A_187, %dma_wait3A_188] : memref<8x80x128xf32, #tpu.memory_space<vmem>> -> memref<1x80x128xf32, #tpu.memory_space<vmem>>
    %dma_wait3A_190 = tpu.memref_squeeze %dma_wait3A_189 : memref<1x80x128xf32, #tpu.memory_space<vmem>> -> memref<80x128xf32, #tpu.memory_space<vmem>>
    tpu.wait_dma2 semaphore(%arg20 : memref<!tpu.dma_semaphore, #tpu.memory_space<semaphore_mem>>) src(%dma_wait3A_190 : memref<80x128xf32, #tpu.memory_space<vmem>>) dst(%dma_wait3A_186 : memref<80x128xf32, #tpu.memory_space<hbm>>)
    %dma_wait3A_191 = arith.constant 6 : i32
    %dma_wait3A_192 = arith.constant 0 : i32
    %dma_wait3A_193 = arith.constant 0 : i32
    %dma_wait3A_194 = tpu.memref_slice %arg6[%dma_wait3A_191, %dma_wait3A_192, %dma_wait3A_193] : memref<8x80x128xf32, #tpu.memory_space<vmem>> -> memref<1x80x128xf32, #tpu.memory_space<vmem>>
    %dma_wait3A_195 = tpu.memref_squeeze %dma_wait3A_194 : memref<1x80x128xf32, #tpu.memory_space<vmem>> -> memref<80x128xf32, #tpu.memory_space<vmem>>
    %dma_wait3A_196 = arith.constant 0 : i32
    %dma_wait3A_197 = tpu.memref_slice %arg4[%add3A, %dma_wait3A_196] : memref<204800x128xf32, #tpu.memory_space<hbm>> -> memref<80x128xf32, #tpu.memory_space<hbm>>
    %dma_wait3A_198 = arith.constant 0 : i32
    %dma_wait3A_199 = tpu.memref_slice %arg4[%add3A, %dma_wait3A_198] : memref<204800x128xf32, #tpu.memory_space<hbm>> -> memref<80x128xf32, #tpu.memory_space<hbm>>
    %dma_wait3A_200 = arith.constant 0 : i32
    %dma_wait3A_201 = arith.constant 0 : i32
    %dma_wait3A_202 = tpu.memref_slice %arg6[%dma_wait3A_191, %dma_wait3A_200, %dma_wait3A_201] : memref<8x80x128xf32, #tpu.memory_space<vmem>> -> memref<1x80x128xf32, #tpu.memory_space<vmem>>
    %dma_wait3A_203 = tpu.memref_squeeze %dma_wait3A_202 : memref<1x80x128xf32, #tpu.memory_space<vmem>> -> memref<80x128xf32, #tpu.memory_space<vmem>>
    tpu.wait_dma2 semaphore(%arg21 : memref<!tpu.dma_semaphore, #tpu.memory_space<semaphore_mem>>) src(%dma_wait3A_203 : memref<80x128xf32, #tpu.memory_space<vmem>>) dst(%dma_wait3A_199 : memref<80x128xf32, #tpu.memory_space<hbm>>)
    %dma_wait3A_204 = arith.constant 7 : i32
    %dma_wait3A_205 = arith.constant 0 : i32
    %dma_wait3A_206 = arith.constant 0 : i32
    %dma_wait3A_207 = tpu.memref_slice %arg6[%dma_wait3A_204, %dma_wait3A_205, %dma_wait3A_206] : memref<8x80x128xf32, #tpu.memory_space<vmem>> -> memref<1x80x128xf32, #tpu.memory_space<vmem>>
    %dma_wait3A_208 = tpu.memref_squeeze %dma_wait3A_207 : memref<1x80x128xf32, #tpu.memory_space<vmem>> -> memref<80x128xf32, #tpu.memory_space<vmem>>
    %dma_wait3A_209 = arith.constant 0 : i32
    %dma_wait3A_210 = tpu.memref_slice %arg4[%add3A, %dma_wait3A_209] : memref<204800x128xf32, #tpu.memory_space<hbm>> -> memref<80x128xf32, #tpu.memory_space<hbm>>
    %dma_wait3A_211 = arith.constant 0 : i32
    %dma_wait3A_212 = tpu.memref_slice %arg4[%add3A, %dma_wait3A_211] : memref<204800x128xf32, #tpu.memory_space<hbm>> -> memref<80x128xf32, #tpu.memory_space<hbm>>
    %dma_wait3A_213 = arith.constant 0 : i32
    %dma_wait3A_214 = arith.constant 0 : i32
    %dma_wait3A_215 = tpu.memref_slice %arg6[%dma_wait3A_204, %dma_wait3A_213, %dma_wait3A_214] : memref<8x80x128xf32, #tpu.memory_space<vmem>> -> memref<1x80x128xf32, #tpu.memory_space<vmem>>
    %dma_wait3A_216 = tpu.memref_squeeze %dma_wait3A_215 : memref<1x80x128xf32, #tpu.memory_space<vmem>> -> memref<80x128xf32, #tpu.memory_space<vmem>>
    tpu.wait_dma2 semaphore(%arg22 : memref<!tpu.dma_semaphore, #tpu.memory_space<semaphore_mem>>) src(%dma_wait3A_216 : memref<80x128xf32, #tpu.memory_space<vmem>>) dst(%dma_wait3A_212 : memref<80x128xf32, #tpu.memory_space<hbm>>)
    return
  }
}

</mosaic_0001>

<sc_bundles>
// kernel: kernel.3.cloned.1.call-start
scs
__scs_entry_jumppad:
0x0: {  	(pc) =	sbr.rel $0x88, $3  }
0x1: {  	(tag) =	ssettag $0x0;
	lr =	simm.s32 $0x1  }
0x2: {  	[smem:$0x3F9E] =	sst lr;
	_ =	strace $0xD0000000  }
0x3: {  	_ = 	snop  }
0x4: {  	_ = 	snop  }
0x5: {  	_ = 	snop  }
0x6: {  	_ = 	snop  }
0x7: {  	_ = 	snop  }
__scs_overlays_trampoline_lowered:
0x8: {  	[smem:$0x3FAD] =	sst s0  }
0x9: {  	[smem:$0x3FAE] =	sst s1  }
0xa: {  	[smem:$0x3FAF] =	sst s2  }
0xb: {  	[smem:$0x3FB0] =	sst s3  }
0xc: {  	[smem:$0x3FB1] =	sst s4  }
0xd: {  	[smem:$0x3FB2] =	sst s5  }
0xe: {  	[smem:$0x3FB3] =	sst s6  }
0xf: {  	[smem:$0x3FB4] =	sst s7  }
0x10: {  	[smem:$0x3FB5] =	sst s8  }
0x11: {  	[smem:$0x3FB6] =	sst s9;
	s0 =	simm.s32 @!p0 $0x0  }
0x12: {  	s1 =	sld [smem:$0x3F9C];
	s0 =	simm.s32 @p0 $0x1  }
0x13: {  	[smem:$0x3FB7] =	sst s0;
	s0 =	simm.s32 @!p1 $0x0  }
0x14: {  	s2 =	sld [smem:$0x3F9B];
	s0 =	simm.s32 @p1 $0x1  }
0x15: {  	[smem:$0x3FB8] =	sst s0;
	s0 =	simm.s32 @!p2 $0x0  }
0x16: {  	s3 =	sld [smem:$0x3FDB];
	s0 =	simm.s32 @p2 $0x1  }
0x17: {  	s4 =	simm.s32 $0x1BF5;
	[smem:$0x3FBA] =	sst s0  }
0x18: {  	s0 =	sld [smem:$0x3F9D];
	_ =	swait.ge [sflag:s4], $0x0  }
0x19: {  	s7 =	sld [smem:$0x3F9E]  }
0x1a: {  	s8 =	sadd.s32 $0xFFFFE003, lr  }
0x1b: {  	s9 =	sadd.s32 $0xFFFFFEF7, lr;
	s5 =	simm.s32 $0xFFFFFFFF;
	p2 =	slt.u32 s8, $0xFFFFF086  }
0x1c: {  	p1 =	slt.u32 s9, $0xF7A;
	s5 =	simm.s32 @!p2 $0x0  }
0x1d: {  	s5 =	simm.s32 @p1 $0x1;
	p0 =	seq.s32 s7, s2  }
0x1e: {  	s7 =	smul.u32 @!p0 $0xF7A, s2;
	p2 =	seq.s32 @!p0 s5, $0x0  }
0x1f: {  	s9 =	smul.u32 $0xF7A, s1;
	s8 =	simm.s32 @!p0 $0x1BF5;
	p2 =	por !p2, p0  }
0x20: {  	[sflag:s8] =	ssyncset.s32 @!p0 $0xFFFFF086;
	s6 =	sadd.s32 @!p0 s3, s7;
	s7 =	simm.s32 @!p0 $0x108  }
0x21: {  	s3 =	sadd.s32 s3, s9;
	s6 =	sadd.s32 @!p0 $0x88, s6;
	s7 =	simm.s32 @p2 $0x1082  }
0x22: {  	[simem:s7], [sflag:s8] =	dma.local @!p0 [hbm:s6], $0xF7A  }
0x23: {  	s9 =	sor.u32 $0xD0000000, s2;
	s6 =	simm.s32 $0x108;
	_ =	swait.ge @!p0 [sflag:s8], $0x0  }
0x24: {  	s3 =	sadd.s32 $0x88, s3;
	s6 =	simm.s32 @!p1 $0x1082;
	[sflag:s4] =	ssyncset.s32 $0xFFFFF086  }
0x25: {  	[simem:s6], [sflag:s4] =	dma.local [hbm:s3], $0xF7A  }
0x26: {  	[smem:$0x3F9E] =	sst s1;
	(tag) =	ssettag s2;
	_ =	strace s9  }
0x27: {  	s1 =	sld [smem:$0x3FAE]  }
0x28: {  	s2 =	sld [smem:$0x3FAF]  }
0x29: {  	s4 =	sld [smem:$0x3FB1]  }
0x2a: {  	p0 =	seq.s32 s5, $0x0;
	s5 =	sld [smem:$0x3FB2]  }
0x2b: {  	s6 =	sld [smem:$0x3FB3]  }
0x2c: {  	s7 =	sld [smem:$0x3FB4]  }
0x2d: {  	s3 =	simm.s32 $0x108;
	s8 =	sld [smem:$0x3FB5]  }
0x2e: {  	s3 =	simm.s32 @!p0 $0x1082;
	s9 =	sld [smem:$0x3FB6]  }
0x2f: {  	lr =	sadd.s32 s0, s3;
	s0 =	sld [smem:$0x3FAD]  }
0x30: {  	s3 =	sld [smem:$0x3FB0]  }
0x31: {  	[smem:$0x3FB9] =	sst s10  }
0x32: {  	s10 =	sld [smem:$0x3FB7];
	_ =	sdelay $0x3  }
0x33: {  	p0 =	seq.s32 s10, $0x1;
	s10 =	sld [smem:$0x3FB9];
	_ =	sdelay $0x3  }
0x34: {  	[smem:$0x3FB9] =	sst s10  }
0x35: {  	s10 =	sld [smem:$0x3FB8];
	_ =	sdelay $0x3  }
0x36: {  	p1 =	seq.s32 s10, $0x1;
	s10 =	sld [smem:$0x3FB9];
	_ =	sdelay $0x3  }
0x37: {  	[smem:$0x3FB9] =	sst s10  }
0x38: {  	s10 =	sld [smem:$0x3FBA]  }
0x39: {  	_ = 	snop;
	(pc) =	sbr.ind lr, $3  }
0x3a: {  	_ = 	snop  }
0x3b: {  	_ = 	snop  }
0x3c: {  	p2 =	seq.s32 s10, $0x1;
	s10 =	sld [smem:$0x3FB9]  }
0x3d: {  	_ =	shalt  }
0x3e: {  	_ =	shalt  }
0x3f: {  	_ =	shalt  }
0x40: {  	_ =	shalt  }
0x41: {  	_ =	shalt  }
0x42: {  	_ =	shalt  }
0x43: {  	_ =	shalt  }
0x44: {  	_ =	shalt  }
0x45: {  	_ =	shalt  }
0x46: {  	_ =	shalt  }
0x47: {  	_ =	shalt  }
0x48: {  	_ =	shalt  }
0x49: {  	_ =	shalt  }
0x4a: {  	_ =	shalt  }
0x4b: {  	_ =	shalt  }
0x4c: {  	_ =	shalt  }
0x4d: {  	_ =	shalt  }
0x4e: {  	_ =	shalt  }
0x4f: {  	_ =	shalt  }
0x50: {  	_ =	shalt  }
0x51: {  	_ =	shalt  }
0x52: {  	_ =	shalt  }
0x53: {  	_ =	shalt  }
0x54: {  	_ =	shalt  }
0x55: {  	_ =	shalt  }
0x56: {  	_ =	shalt  }
0x57: {  	_ =	shalt  }
0x58: {  	_ =	shalt  }
0x59: {  	_ =	shalt  }
0x5a: {  	_ =	shalt  }
0x5b: {  	_ =	shalt  }
0x5c: {  	_ =	shalt  }
0x5d: {  	_ =	shalt  }
0x5e: {  	_ =	shalt  }
0x5f: {  	_ =	shalt  }
0x60: {  	_ =	shalt  }
0x61: {  	_ =	shalt  }
0x62: {  	_ =	shalt  }
0x63: {  	_ =	shalt  }
0x64: {  	_ =	shalt  }
0x65: {  	_ =	shalt  }
0x66: {  	_ =	shalt  }
0x67: {  	_ =	shalt  }
0x68: {  	_ =	shalt  }
0x69: {  	_ =	shalt  }
0x6a: {  	_ =	shalt  }
0x6b: {  	_ =	shalt  }
0x6c: {  	_ =	shalt  }
0x6d: {  	_ =	shalt  }
0x6e: {  	_ =	shalt  }
0x6f: {  	_ =	shalt  }
0x70: {  	_ =	shalt  }
0x71: {  	_ =	shalt  }
0x72: {  	_ =	shalt  }
0x73: {  	_ =	shalt  }
0x74: {  	_ =	shalt  }
0x75: {  	_ =	shalt  }
0x76: {  	_ =	shalt  }
0x77: {  	_ =	shalt  }
0x78: {  	_ =	shalt  }
0x79: {  	_ =	shalt  }
0x7a: {  	_ =	shalt  }
0x7b: {  	_ =	shalt  }
0x7c: {  	_ =	shalt  }
0x7d: {  	_ =	shalt  }
0x7e: {  	_ =	shalt  }
0x7f: {  	_ =	shalt  }
0x80: {  	_ =	shalt  }
0x81: {  	_ =	shalt  }
0x82: {  	_ =	shalt  }
0x83: {  	_ =	shalt  }
0x84: {  	_ =	shalt  }
0x85: {  	_ =	shalt  }
0x86: {  	_ =	shalt  }
0x87: {  	_ =	shalt  }
.Lfunc_end0:
.L_simem_size_0:
called_computation_lowered:
.L_overlay_start_0:
0x88: {  	s2 =	sld [smem:$0x3FD9]  }
0x89: {  	s3 =	sld [smem:$0x3FFE];
	_ =	sdelay $0x1  }
0x8a: {  	s1 =	srdreg.scid  }
0x8b: {  	s0 =	sand.u32 $0x1, s1  }
0x8c: {  	s15 =	sshll.u32 s0, $0xA;
	s2 =	sadd.s32 s3, s2  }
0x8d: {  	s2 =	sadd.s32 s2, s15  }
0x8e: {  	[smem:$0x3FC5] =	sst s2  }
0x8f: {  	_ = 	snop  }
0x90: {  	s2 =	sld [smem:$0x3FD0];
	_ =	sdelay $0x2  }
0x91: {  	s4 =	simm.s32 $0xA;
	s5 =	simm.s32 $0x10;
	s16 =	sld [smem:$0x3FC7]  }
0x92: {  	[smem:s5], [sflag:s4] =	dma.local [hbm:s2], $0x1  }
0x93: {  	_ =	swait.eq [sflag:s4], $0x1  }
0x94: {  	[sflag:s4] =	ssyncset.done $0x0  }
0x95: {  	s17 =	sld [smem:$0x10];
	[sflag:s4] =	ssyncadd.s32 $0xFFFFFFFF  }
0x96: {  	s18 =	sld [smem:$0x11];
	(tm) =	ssettm $0x1  }
0x97: {  	s19 =	sld [smem:$0x3FFB];
	_ =	sdelay $0x3  }
0x98: {  	_ =	strace s19  }
0x99: {  	s5 =	sld [smem:$0x3FFC];
	_ =	sdelay $0x3  }
0x9a: {  	_ =	strace s5  }
0x9b: {  	s5 =	sld [smem:$0x3FFD];
	_ =	sdelay $0x3  }
0x9c: {  	_ =	strace s5  }
0x9d: {  	_ =	strace $0x8FFFFFFF  }
0x9e: {  	s20 =	sld [smem:$0x3FDB];
	_ =	sdelay $0x1  }
0x9f: {  	s6 =	simm.s32 $_scs_section_size  }
0xa0: {  	s7 =	simm.s32 $_size__tile_overlayer_lowered;
	s8 =	simm.s32 $_tile_overlayer_lowered  }
0xa1: {  	s23 =	simm.s32 $0x1BFF;
	s22 =	sshll.u32 s8, $0x1;
	s5 =	sadd.s32 s6, s20  }
0xa2: {  	s9 =	simm.s32 $0x0;
	s21 =	sshll.u32 s7, $0x1;
	s7 =	sadd.s32 s22, s5  }
0xa3: {  	[timem:s9], [sflag:s23] =	dma.local [hbm:s7], s21  }
0xa4: {  	_ =	swait.ge [sflag:s23], s21  }
0xa5: {  	s6 =	ssub.s32 $0x0, s21;
	[sflag:s23] =	ssyncset.done $0x0  }
0xa6: {  	[sflag:s23] =	ssyncadd.s32 s6;
	_ =	sdelay $0x1  }
0xa7: {  	s24 =	simm.s32 $0x1B8B  }
0xa8: {  	_ =	swait.ge [sflag:s24], $0x1  }
0xa9: {  	[sflag:s24] =	ssyncset.done $0x0  }
0xaa: {  	s25 =	simm.s32 $0x1B8E;
	[sflag:s24] =	ssyncadd.s32 $0xFFFFFFFF  }
0xab: {  	s26 =	simm.s32 $execute0_lowered;
	[smem:$0x3FD2] =	sst s25  }
0xac: {  	s6 =	sshll.u32 s26, $0x1;
	_ =	strace $0x80000046;
	[dreg:$0x1] =	wrdreg $0xFFFFFFFF  }
0xad: {  	s28 =	simm.s32 $_size_execute0_lowered;
	s5 =	sadd.s32 s5, s6;
	[dreg:$0x0] =	wrdreg $0x0  }
0xae: {  	s6 =	sshll.u32 s28, $0x1;
	[dreg:$0x2] =	wrdreg s5  }
0xaf: {  	[dreg:$0x3] =	wrdreg s6  }
0xb0: {  	[dreg:$0x4] =	wrdreg $0xC0  }
0xb1: {  	_ =	task [dreg:s9], $0x5FFFF  }
0xb2: {  	[dreg:$0x1] =	wrdreg $0xFFFFFFFF  }
0xb3: {  	[dreg:$0x0] =	wrdreg $0x60  }
0xb4: {  	[dreg:$0x2] =	wrdreg s16  }
0xb5: {  	[dreg:$0x3] =	wrdreg s17  }
0xb6: {  	[dreg:$0x4] =	wrdreg s18  }
0xb7: {  	[dreg:$0x5] =	wrdreg $0x9  }
0xb8: {  	_ =	task.clear_ibuf [dreg:s9], $0x6FFFF;
	_ =	strace $0x90000046  }
0xb9: {  	s29 =	simm.s32 $0x9;
	_ =	strace $0x80000048  }
0xba: {  	_ =	swait.ge [sflag:s29], $0x1  }
0xbb: {  	[sflag:s29] =	ssyncadd.s32 $0xFFFFFFFF  }
0xbc: {  	_ =	strace $0x90000048  }
0xbd: {  	_ =	sfence  }
0xbe: {  	s30 =	sld [smem:$0x0];
	_ =	sdelay $0x2  }
0xbf: {  	s31 =	sshll.u32 s1, $0xD;
	s1 =	sshrl.u32 s1, $0x2  }
0xc0: {  	s3 =	sand.u32 $0x4000, s31;
	s1 =	sadd.s32 s1, s30  }
0xc1: {  	s0 =	sor.u32 s3, s0;
	s1 =	sshll.u32 s1, $0x11  }
0xc2: {  	s0 =	sor.u32 s1, s0  }
0xc3: {  	s0 =	sadd.s32 $0x8F2B, s0  }
0xc4: {  	[sflag:s0] =	ssyncadd.remote.s32 $0x1  }
0xc5: {  	_ =	sfence.sel $0xFFFF  }
0xc6: {  	[dreg:$0x0] =	wrdreg $0xFFFFFFFF;
	(pc) =	sbr.abs _section_cstart, $3  }
0xc7: {  	[dreg:$0x1] =	wrdreg $0xFFFFFFFF  }
0xc8: {  	_ =	task.clear_ibuf [dreg:s9], $0x2FFFF;
	_ =	strace $0x9FFFFFFF  }
0xc9: {  	(tm) =	ssettm $0x7FFFFFFF  }
tec
execute0_lowered:
.L_overlay_start_1:
0x0: {  	(tag) =	ssettag $0x1  }
0x1: {  	s1 =	rddreg [dreg:$0x0]  }
0x2: {  	s0 =	rddreg [dreg:$0x1]  }
0x3: {  	s2 =	rddreg [dreg:$0x2];
	s3 =	simm.s32 $0x0  }
0x4: {  	s4 =	srdreg.scid;
	s10 =	stileid.u32;
	s15 =	simm.s32 $0x9200  }
0x5: {  	s16 =	simm.s32 $0x140;
	s17 =	simm.s32 $0xBA00;
	s18 =	simm.s32 $0x190  }
0x6: {  	s19 =	simm.s32 $0xE200;
	s20 =	simm.s32 $0x1E0;
	s21 =	simm.s32 $0x10A00  }
0x7: {  	s28 =	simm.s32 $0xE;
	s29 =	simm.s32 $0xF;
	s30 =	simm.s32 $0x10  }
0x8: {  	s31 =	simm.s32 $0x0;
	[smem:$0x7FF] =	sst s3;
	s5 =	smul.u32 $0x3200, s10  }
0x9: {  	s6 =	sand.u32 $0x1, s4;
	s4 =	simm.s32 $0x4E;
	s23 =	smul.u32 $0x32000, s10  }
0xa: {  	_ =	strace $0x80000047;
	s7 =	ssub.s32 $0x2, s6;
	s8 =	smul.u32 $0x1860, s6  }
0xb: {  	p0 =	seq.s32 s6, $0x0;
	s25 =	smul.u32 $0x18600, s6;
	s9 =	sshrl.u32 s7, $0x1  }
0xc: {  	s4 =	simm.s32 @!p0 $0x52;
	s26 =	sadd.s32 s23, s2;
	s23 =	simm.s32 $0xA  }
0xd: {  	s7 =	ssub.s32 s7, s9;
	s5 =	sadd.s32 s8, s5;
	s22 =	sadd.s32 $0x6, s4  }
0xe: {  	s2 =	sadd.s32 s25, s26;
	s8 =	simm.s32 $0x11;
	s9 =	simm.s32 $0x50  }
0xf: {  	s25 =	simm.s32 $0xC;
	s26 =	simm.s32 $0xD;
	s5 =	sshrl.u32 s5, $0x3  }
0x10: {  	s24 =	sand.u32 $0x78, s22;
	s6 =	smax.u32 s7, $0x1;
	s22 =	simm.s32 $0x9  }
0x11: {  	s5 =	sadd.s32 s0, s5;
	[dreg:$0x4] =	wrdreg s24;
	s24 =	simm.s32 $0xB  }
.LBB2_1:
0x12: {  	[tilespmem:s3], [sflag:$0x11] =	stream.linear.gather [hbm4b:s5+s3], $0x19A0, $0x38;
	[tilespmem:$0x15A00] =	vst v63  }
0x13: {  	_ =	swait.ge [sflag:s8], $0x19A0  }
0x14: {  	[sflag:s8] =	ssyncset.done $0x0  }
0x15: {  	s0 =	simm.s32 $0x1A00;
	[sflag:s8] =	ssyncadd.s32 $0xFFFFE660  }
0x16: {  	[tilespmem:s0], [sflag:$0x1] =	stream.indirect.gather [hbm4b:s1+s9], $0x80, s3, s9, $0xb8;
	[tilespmem:$0x15A00] =	vst v63  }
0x17: {  	s12 =	simm.s32 $0x4200  }
0x18: {  	[tilespmem:s12], [sflag:$0x2] =	stream.indirect.gather [hbm4b:s1+s9], $0x80, s9, s9, $0xb8;
	[tilespmem:$0x15A00] =	vst v63  }
0x19: {  	s13 =	simm.s32 $0xA0;
	s7 =	simm.s32 $0x6A00  }
0x1a: {  	[tilespmem:s7], [sflag:$0x3] =	stream.indirect.gather [hbm4b:s1+s9], $0x80, s13, s9, $0xb8;
	[tilespmem:$0x15A00] =	vst v63  }
0x1b: {  	s14 =	simm.s32 $0xF0  }
0x1c: {  	[tilespmem:s15], [sflag:$0x4] =	stream.indirect.gather [hbm4b:s1+s9], $0x80, s14, s9, $0xb8;
	[tilespmem:$0x15A00] =	vst v63  }
0x1d: {  	_ = 	snop  }
0x1e: {  	[tilespmem:s17], [sflag:$0x5] =	stream.indirect.gather [hbm4b:s1+s9], $0x80, s16, s9, $0xb8;
	[tilespmem:$0x15A00] =	vst v63  }
0x1f: {  	_ = 	snop  }
0x20: {  	[tilespmem:s19], [sflag:$0x6] =	stream.indirect.gather [hbm4b:s1+s9], $0x80, s18, s9, $0xb8;
	[tilespmem:$0x15A00] =	vst v63  }
0x21: {  	s10 =	simm.s32 $0x0;
	s0 =	simm.s32 $0x230;
	s7 =	smov.u32 s2  }
0x22: {  	[tilespmem:s21], [sflag:$0x7] =	stream.indirect.gather [hbm4b:s1+s9], $0x80, s20, s9, $0xb8;
	[tilespmem:$0x15A00] =	vst v63  }
.LBB2_2:
0x23: {  	p0 =	sge.u32 s10, s4  }
0x24: {  	s11 =	simm.s32 @!p0 $0x1  }
0x25: {  	_ =	swait.ge @!p0 [sflag:s11], $0x2800  }
0x26: {  	s12 =	simm.s32 @!p0 $0x1A00;
	[sflag:s11] =	ssyncset.done @!p0 $0x0  }
0x27: {  	p1 =	seq.s32 @!p0 s10, $0x0;
	[sflag:s11] =	ssyncadd.s32 @!p0 $0xFFFFD800;
	s11 =	simm.s32 @!p0 $0x0  }
0x28: {  	[hbm4b:s7+s11] =	stream.linear.scatter @!p0 [tilespmem:s12], [sflag:$0x9], $0x2800, $0x38;
	[tilespmem:$0x15A00] =	vst v63  }
0x29: {  	p2 =	por p1, p0;
	s11 =	sadd.s32 @!p0 $0x7, s10  }
0x2a: {  	p2 =	sge.u32 @!p2 s11, s4  }
0x2b: {  	p1 =	por @!p0 p2, p1  }
0x2c: {  	p1 =	por p1, p0  }
0x2d: {  	s12 =	simm.s32 @!p1 $0x10  }
0x2e: {  	p2 =	sge.u32 @!p0 s11, s4;
	_ =	swait.ge @!p1 [sflag:s12], $0x2800  }
0x2f: {  	s14 =	sadd.s32 $0x1, s10;
	p0 =	por p2, p0;
	[sflag:s12] =	ssyncset.done @!p1 $0x0  }
0x30: {  	s11 =	simm.s32 @!p0 $0x50;
	[sflag:s12] =	ssyncadd.s32 @!p1 $0xFFFFD800;
	s12 =	simm.s32 @!p0 $0x13200  }
0x31: {  	[tilespmem:s12], [sflag:$0x8] =	stream.indirect.gather @!p0 [hbm4b:s1+s11], $0x80, s0, s11, $0xb8;
	[tilespmem:$0x15A00] =	vst v63  }
0x32: {  	p0 =	sge.u32 s14, s4  }
0x33: {  	s11 =	simm.s32 @!p0 $0x2  }
0x34: {  	_ =	swait.ge @!p0 [sflag:s11], $0x2800  }
0x35: {  	s12 =	simm.s32 @!p0 $0x0;
	[sflag:s11] =	ssyncset.done @!p0 $0x0  }
0x36: {  	s13 =	simm.s32 @!p0 $0x4200;
	[sflag:s11] =	ssyncadd.s32 @!p0 $0xFFFFD800;
	s11 =	sadd.s32 @!p0 $0x500, s7  }
0x37: {  	[hbm4b:s11+s12] =	stream.linear.scatter @!p0 [tilespmem:s13], [sflag:$0xA], $0x2800, $0x38;
	[tilespmem:$0x15A00] =	vst v63  }
0x38: {  	s11 =	sadd.s32 @!p0 $0x8, s10  }
0x39: {  	p1 =	sge.u32 @!p0 s11, s4  }
0x3a: {  	p0 =	por p1, p0  }
0x3b: {  	s11 =	simm.s32 @!p0 $0x9  }
0x3c: {  	_ =	swait.ge @!p0 [sflag:s11], $0x2800  }
0x3d: {  	s12 =	simm.s32 @!p0 $0x50;
	[sflag:s11] =	ssyncset.done @!p0 $0x0  }
0x3e: {  	s13 =	simm.s32 @!p0 $0x1A00;
	[sflag:s11] =	ssyncadd.s32 @!p0 $0xFFFFD800;
	s11 =	sadd.s32 @!p0 $0x50, s0  }
0x3f: {  	[tilespmem:s13], [sflag:$0x1] =	stream.indirect.gather @!p0 [hbm4b:s1+s12], $0x80, s11, s12, $0xb8;
	[tilespmem:$0x15A00] =	vst v63  }
0x40: {  	s12 =	sadd.s32 $0x2, s10  }
0x41: {  	p0 =	sge.u32 s12, s4  }
0x42: {  	s11 =	simm.s32 @!p0 $0x3  }
0x43: {  	_ =	swait.ge @!p0 [sflag:s11], $0x2800  }
0x44: {  	s12 =	simm.s32 @!p0 $0x0;
	[sflag:s11] =	ssyncset.done @!p0 $0x0  }
0x45: {  	s13 =	simm.s32 @!p0 $0x6A00;
	[sflag:s11] =	ssyncadd.s32 @!p0 $0xFFFFD800;
	s11 =	sadd.s32 @!p0 $0xA00, s7  }
0x46: {  	[hbm4b:s11+s12] =	stream.linear.scatter @!p0 [tilespmem:s13], [sflag:$0xB], $0x2800, $0x38;
	[tilespmem:$0x15A00] =	vst v63  }
0x47: {  	s11 =	sadd.s32 @!p0 $0x9, s10  }
0x48: {  	p1 =	sge.u32 @!p0 s11, s4  }
0x49: {  	p0 =	por p1, p0  }
0x4a: {  	s11 =	simm.s32 @!p0 $0xA  }
0x4b: {  	_ =	swait.ge @!p0 [sflag:s11], $0x2800  }
0x4c: {  	s12 =	simm.s32 @!p0 $0x50;
	[sflag:s11] =	ssyncset.done @!p0 $0x0  }
0x4d: {  	s13 =	simm.s32 @!p0 $0x4200;
	[sflag:s11] =	ssyncadd.s32 @!p0 $0xFFFFD800;
	s11 =	sadd.s32 @!p0 $0xA0, s0  }
0x4e: {  	[tilespmem:s13], [sflag:$0x2] =	stream.indirect.gather @!p0 [hbm4b:s1+s12], $0x80, s11, s12, $0xb8;
	[tilespmem:$0x15A00] =	vst v63  }
0x4f: {  	s13 =	sadd.s32 $0x3, s10  }
0x50: {  	p0 =	sge.u32 s13, s4  }
0x51: {  	s11 =	simm.s32 @!p0 $0x4  }
0x52: {  	_ =	swait.ge @!p0 [sflag:s11], $0x2800  }
0x53: {  	s12 =	simm.s32 @!p0 $0x0;
	[sflag:s11] =	ssyncset.done @!p0 $0x0  }
0x54: {  	s13 =	simm.s32 @!p0 $0x9200;
	[sflag:s11] =	ssyncadd.s32 @!p0 $0xFFFFD800;
	s11 =	sadd.s32 @!p0 $0xF00, s7  }
0x55: {  	[hbm4b:s11+s12] =	stream.linear.scatter @!p0 [tilespmem:s13], [sflag:$0xC], $0x2800, $0x38;
	[tilespmem:$0x15A00] =	vst v63  }
0x56: {  	s11 =	sadd.s32 @!p0 $0xA, s10  }
0x57: {  	p1 =	sge.u32 @!p0 s11, s4  }
0x58: {  	p0 =	por p1, p0  }
0x59: {  	s11 =	simm.s32 @!p0 $0xB  }
0x5a: {  	_ =	swait.ge @!p0 [sflag:s11], $0x2800  }
0x5b: {  	s14 =	sadd.s32 $0x4, s10;
	s12 =	simm.s32 @!p0 $0x50;
	[sflag:s11] =	ssyncset.done @!p0 $0x0  }
0x5c: {  	s13 =	simm.s32 @!p0 $0x6A00;
	[sflag:s11] =	ssyncadd.s32 @!p0 $0xFFFFD800;
	s11 =	sadd.s32 @!p0 $0xF0, s0  }
0x5d: {  	[tilespmem:s13], [sflag:$0x3] =	stream.indirect.gather @!p0 [hbm4b:s1+s12], $0x80, s11, s12, $0xb8;
	[tilespmem:$0x15A00] =	vst v63  }
0x5e: {  	p0 =	sge.u32 s14, s4  }
0x5f: {  	s11 =	simm.s32 @!p0 $0x5  }
0x60: {  	_ =	swait.ge @!p0 [sflag:s11], $0x2800  }
0x61: {  	s12 =	simm.s32 @!p0 $0x0;
	[sflag:s11] =	ssyncset.done @!p0 $0x0  }
0x62: {  	s13 =	simm.s32 @!p0 $0xBA00;
	[sflag:s11] =	ssyncadd.s32 @!p0 $0xFFFFD800;
	s11 =	sadd.s32 @!p0 $0x1400, s7  }
0x63: {  	[hbm4b:s11+s12] =	stream.linear.scatter @!p0 [tilespmem:s13], [sflag:$0xD], $0x2800, $0x38;
	[tilespmem:$0x15A00] =	vst v63  }
0x64: {  	s11 =	sadd.s32 @!p0 $0xB, s10  }
0x65: {  	p1 =	sge.u32 @!p0 s11, s4  }
0x66: {  	p0 =	por p1, p0  }
0x67: {  	s11 =	simm.s32 @!p0 $0xC  }
0x68: {  	_ =	swait.ge @!p0 [sflag:s11], $0x2800  }
0x69: {  	s12 =	simm.s32 @!p0 $0x50;
	[sflag:s11] =	ssyncset.done @!p0 $0x0  }
0x6a: {  	s13 =	simm.s32 @!p0 $0x9200;
	[sflag:s11] =	ssyncadd.s32 @!p0 $0xFFFFD800;
	s11 =	sadd.s32 @!p0 $0x140, s0  }
0x6b: {  	[tilespmem:s13], [sflag:$0x4] =	stream.indirect.gather @!p0 [hbm4b:s1+s12], $0x80, s11, s12, $0xb8;
	[tilespmem:$0x15A00] =	vst v63  }
0x6c: {  	s12 =	sadd.s32 $0x5, s10  }
0x6d: {  	p0 =	sge.u32 s12, s4  }
0x6e: {  	s11 =	simm.s32 @!p0 $0x6  }
0x6f: {  	_ =	swait.ge @!p0 [sflag:s11], $0x2800  }
0x70: {  	s12 =	simm.s32 @!p0 $0x0;
	[sflag:s11] =	ssyncset.done @!p0 $0x0  }
0x71: {  	s13 =	simm.s32 @!p0 $0xE200;
	[sflag:s11] =	ssyncadd.s32 @!p0 $0xFFFFD800;
	s11 =	sadd.s32 @!p0 $0x1900, s7  }
0x72: {  	[hbm4b:s11+s12] =	stream.linear.scatter @!p0 [tilespmem:s13], [sflag:$0xE], $0x2800, $0x38;
	[tilespmem:$0x15A00] =	vst v63  }
0x73: {  	s11 =	sadd.s32 @!p0 $0xC, s10  }
0x74: {  	p1 =	sge.u32 @!p0 s11, s4  }
0x75: {  	p0 =	por p1, p0  }
0x76: {  	s11 =	simm.s32 @!p0 $0xD  }
0x77: {  	_ =	swait.ge @!p0 [sflag:s11], $0x2800  }
0x78: {  	s12 =	simm.s32 @!p0 $0x50;
	[sflag:s11] =	ssyncset.done @!p0 $0x0  }
0x79: {  	s13 =	simm.s32 @!p0 $0xBA00;
	[sflag:s11] =	ssyncadd.s32 @!p0 $0xFFFFD800;
	s11 =	sadd.s32 @!p0 $0x190, s0  }
0x7a: {  	[tilespmem:s13], [sflag:$0x5] =	stream.indirect.gather @!p0 [hbm4b:s1+s12], $0x80, s11, s12, $0xb8;
	[tilespmem:$0x15A00] =	vst v63  }
0x7b: {  	s13 =	sadd.s32 $0x6, s10  }
0x7c: {  	p0 =	sge.u32 s13, s4  }
0x7d: {  	s11 =	simm.s32 @!p0 $0x7  }
0x7e: {  	_ =	swait.ge @!p0 [sflag:s11], $0x2800  }
0x7f: {  	s12 =	simm.s32 @!p0 $0x0;
	[sflag:s11] =	ssyncset.done @!p0 $0x0  }
0x80: {  	s13 =	simm.s32 @!p0 $0x10A00;
	[sflag:s11] =	ssyncadd.s32 @!p0 $0xFFFFD800;
	s11 =	sadd.s32 @!p0 $0x1E00, s7  }
0x81: {  	[hbm4b:s11+s12] =	stream.linear.scatter @!p0 [tilespmem:s13], [sflag:$0xF], $0x2800, $0x38;
	[tilespmem:$0x15A00] =	vst v63  }
0x82: {  	s11 =	sadd.s32 @!p0 $0xD, s10  }
0x83: {  	p1 =	sge.u32 @!p0 s11, s4  }
0x84: {  	p0 =	por p1, p0  }
0x85: {  	s11 =	simm.s32 @!p0 $0xE  }
0x86: {  	_ =	swait.ge @!p0 [sflag:s11], $0x2800  }
0x87: {  	s14 =	sadd.s32 $0x7, s10;
	s12 =	simm.s32 @!p0 $0x50;
	[sflag:s11] =	ssyncset.done @!p0 $0x0  }
0x88: {  	s13 =	simm.s32 @!p0 $0xE200;
	[sflag:s11] =	ssyncadd.s32 @!p0 $0xFFFFD800;
	s11 =	sadd.s32 @!p0 $0x1E0, s0  }
0x89: {  	[tilespmem:s13], [sflag:$0x6] =	stream.indirect.gather @!p0 [hbm4b:s1+s12], $0x80, s11, s12, $0xb8;
	[tilespmem:$0x15A00] =	vst v63  }
0x8a: {  	p0 =	sge.u32 s14, s4  }
0x8b: {  	s11 =	simm.s32 @!p0 $0x8  }
0x8c: {  	_ =	swait.ge @!p0 [sflag:s11], $0x2800  }
0x8d: {  	s12 =	simm.s32 @!p0 $0x0;
	[sflag:s11] =	ssyncset.done @!p0 $0x0  }
0x8e: {  	s13 =	simm.s32 @!p0 $0x13200;
	[sflag:s11] =	ssyncadd.s32 @!p0 $0xFFFFD800;
	s11 =	sadd.s32 @!p0 $0x2300, s7  }
0x8f: {  	[hbm4b:s11+s12] =	stream.linear.scatter @!p0 [tilespmem:s13], [sflag:$0x10], $0x2800, $0x38;
	[tilespmem:$0x15A00] =	vst v63  }
0x90: {  	s11 =	sadd.s32 @!p0 $0xE, s10  }
0x91: {  	p1 =	sge.u32 @!p0 s11, s4  }
0x92: {  	p0 =	por p1, p0  }
0x93: {  	s11 =	simm.s32 @!p0 $0xF  }
0x94: {  	s10 =	sadd.s32 $0x8, s10;
	_ =	swait.ge @!p0 [sflag:s11], $0x2800  }
0x95: {  	s12 =	simm.s32 @!p0 $0x50;
	s13 =	simm.s32 @!p0 $0x10A00;
	[sflag:s11] =	ssyncset.done @!p0 $0x0  }
0x96: {  	s14 =	rddreg [dreg:$0x4];
	[sflag:s11] =	ssyncadd.s32 @!p0 $0xFFFFD800;
	s11 =	sadd.s32 @!p0 $0x230, s0  }
0x97: {  	[tilespmem:s13], [sflag:$0x7] =	stream.indirect.gather @!p0 [hbm4b:s1+s12], $0x80, s11, s12, $0xb8;
	[tilespmem:$0x15A00] =	vst v63  }
0x98: {  	p0 =	sne.s32 s14, s10  }
.Ltmp0:
0x99: {  	_ = 	snop;
	(pc) =	sbr.rel @p0 .LBB2_2-.Ltmp0, $2  }
0x9a: {  	_ =	sdelay $0x2  }
0x9b: {  	s7 =	sadd.s32 $0x2800, s7;
	s0 =	sadd.s32 $0x280, s0  }
0x9c: {  	_ =	swait.ge [sflag:s22], $0x2800  }
0x9d: {  	[sflag:s22] =	ssyncset.done $0x0  }
0x9e: {  	[sflag:s22] =	ssyncadd.s32 $0xFFFFD800  }
0x9f: {  	_ =	swait.ge [sflag:s23], $0x2800  }
0xa0: {  	[sflag:s23] =	ssyncset.done $0x0  }
0xa1: {  	[sflag:s23] =	ssyncadd.s32 $0xFFFFD800  }
0xa2: {  	_ =	swait.ge [sflag:s24], $0x2800  }
0xa3: {  	[sflag:s24] =	ssyncset.done $0x0  }
0xa4: {  	[sflag:s24] =	ssyncadd.s32 $0xFFFFD800  }
0xa5: {  	_ =	swait.ge [sflag:s25], $0x2800  }
0xa6: {  	[sflag:s25] =	ssyncset.done $0x0  }
0xa7: {  	[sflag:s25] =	ssyncadd.s32 $0xFFFFD800  }
0xa8: {  	_ =	swait.ge [sflag:s26], $0x2800  }
0xa9: {  	[sflag:s26] =	ssyncset.done $0x0  }
0xaa: {  	[sflag:s26] =	ssyncadd.s32 $0xFFFFD800  }
0xab: {  	_ =	swait.ge [sflag:s28], $0x2800  }
0xac: {  	[sflag:s28] =	ssyncset.done $0x0  }
0xad: {  	s31 =	sadd.s32 $0x1, s31;
	[sflag:s28] =	ssyncadd.s32 $0xFFFFD800  }
0xae: {  	p0 =	sne.s32 s31, s6;
	_ =	swait.ge [sflag:s29], $0x2800  }
.Ltmp1:
0xaf: {  	[sflag:s29] =	ssyncset.done $0x0;
	(pc) =	sbr.rel @p0 .LBB2_1-.Ltmp1, $4  }
0xb0: {  	[sflag:s29] =	ssyncadd.s32 $0xFFFFD800  }
0xb1: {  	_ =	swait.ge [sflag:s30], $0x2800  }
0xb2: {  	[sflag:s30] =	ssyncset.done $0x0  }
0xb3: {  	[sflag:s30] =	ssyncadd.s32 $0xFFFFD800  }
0xb4: {  	_ =	sfence.sel $0x180000  }
0xb5: {  	[bflag:$0x0] =	sbarrier.arrive $0xFFFF  }
0xb6: {  	_ =	strace $0x90000047  }
0xb7: {  	s0 =	stileid.u32;
	[bflag:$0x2] =	sbarrier.arrive $0xFFFF  }
0xb8: {  	p0 =	sne.s32 s0, $0x0;
	s0 =	rddreg [dreg:$0x3]  }
0xb9: {  	s0 =	sadd.s32 @!p0 $0x100000, s0  }
0xba: {  	[sflag:s0] =	ssyncadd.tile.s32 @!p0 $0x1;
	_ =	shalt  }
.Lfunc_end2:
_tile_overlayer_lowered:
.L_overlay_start_2:
0xbb: {  	(tag) =	ssettag $0x2  }
0xbc: {  	s0 =	rddreg [dreg:$0x0];
	s2 =	stileid.u32  }
0xbd: {  	s1 =	rddreg [dreg:$0x1];
	p0 =	sne.s32 s2, $0x0  }
0xbe: {  	s3 =	rddreg [dreg:$0x2];
	[bflag:$0x3] =	sbarrier.arrive $0xFFFF;
	s2 =	simm.s32 @!p0 $0x1C11  }
0xbf: {  	[timem:s3], [sflag:s2] =	dma.local @!p0 [hbm:s0], s1  }
0xc0: {  	s0 =	simm.s32 @!p0 $0x11  }
0xc1: {  	_ =	swait.ge @!p0 [sflag:s0], s1  }
0xc2: {  	s1 =	ssub.s32 @!p0 $0x0, s1;
	[sflag:s0] =	ssyncset.done @!p0 $0x0  }
0xc3: {  	[sflag:s0] =	ssyncadd.s32 @!p0 s1  }
0xc4: {  	[bflag:$0x3] =	sbarrier.arrive $0xFFFF  }
0xc5: {  	_ =	shalt  }

</sc_bundles>
